<compile_context>
chip_gen: v7x
topology: tpu7x:2x2x1
jax: 0.10.2.dev20260603
libtpu: 0.0.44.dev20260713+nightly
codegen_flags: <defaults>
</compile_context>

<pallas_src>
import functools

import jax
import jax.numpy as jnp
from jax import lax
from jax.experimental import pallas as pl
from jax.experimental.pallas import tpu as pltpu
from jax.experimental.pallas import tpu_sc as plsc

f32 = jnp.float32
bf16 = jnp.bfloat16
i32 = jnp.int32

NC = 2
NS = 16
NW = NC * NS
C = 128


def _gather_kernel(N, D, NCH, NCH0, NCH1):
    mesh = plsc.VectorSubcoreMesh(core_axis_name="c", subcore_axis_name="s",
                                  num_cores=NC, num_subcores=NS)
    NCHM = max(NCH0, NCH1)

    @functools.partial(
        pl.kernel,
        out_type=jax.ShapeDtypeStruct((NW * NCH * C, D), bf16),
        mesh=mesh,
        compiler_params=pltpu.CompilerParams(use_tc_tiling_on_sc=False),
        scratch_types=[
            pltpu.VMEM((NCHM, C), i32),
            pltpu.VMEM((C, D), bf16),
            pltpu.VMEM((C, D), bf16),
            pltpu.VMEM((C, D), bf16),
            pltpu.VMEM((C, D), bf16),
            pltpu.SemaphoreType.DMA,
            pltpu.SemaphoreType.DMA,
            pltpu.SemaphoreType.DMA,
            pltpu.SemaphoreType.DMA,
        ],
    )
    def gk(x_hbm, src_hbm, out_hbm, idx_v, r0, r1, r2, r3, g0, g1, g2, g3):
        cid = lax.axis_index("c")
        sid = lax.axis_index("s")
        base = jnp.where(cid == 0, sid * NCH0, NS * NCH0 + sid * NCH1)
        nch = jnp.where(cid == 0, NCH0, NCH1)
        pltpu.sync_copy(src_hbm.at[pl.ds(base, NCHM)], idx_v)
        rows = (r0, r1, r2, r3)
        sems = (g0, g1, g2, g3)

        def body(t, carry):
            j = 4 * t
            ds = [pltpu.async_copy(x_hbm.at[idx_v.at[j + i]], rows[i], sems[i])
                  for i in range(4)]
            for i in range(4):
                ds[i].wait()
                pltpu.sync_copy(rows[i],
                                out_hbm.at[pl.ds((base + j + i) * C, C)])
            return carry

        lax.fori_loop(0, nch // 4, body, 0)

    return gk


def _scatter_kernel(NP, D, NCH, RPS):
    mesh = plsc.VectorSubcoreMesh(core_axis_name="c", subcore_axis_name="s",
                                  num_cores=NC, num_subcores=NS)

    @functools.partial(
        pl.kernel,
        out_type=(
            jax.ShapeDtypeStruct((NC * NP, D), f32),
            jax.ShapeDtypeStruct((NC * NP, 16), f32),
        ),
        mesh=mesh,
        compiler_params=pltpu.CompilerParams(use_tc_tiling_on_sc=False),
        scratch_types=[
            pltpu.VMEM((NCH, C), i32),
            pltpu.VMEM((C, D), f32),
            pltpu.VMEM((C, D), f32),
            pltpu.VMEM((C, D), f32),
            pltpu.VMEM((C, D), f32),
            pltpu.VMEM((C, 16), f32),
            pltpu.VMEM_SHARED((NP, D), f32),
            pltpu.VMEM_SHARED((NP, 16), f32),
            pltpu.SemaphoreType.DMA,
            pltpu.SemaphoreType.DMA,
            pltpu.SemaphoreType.DMA,
            pltpu.SemaphoreType.DMA,
            pltpu.SemaphoreType.DMA,
            pltpu.SemaphoreType.DMA,
            pltpu.SemaphoreType.DMA,
            pltpu.SemaphoreType.DMA,
        ],
    )
    def sk(msg_hbm, dst_hbm, z32_hbm, z16_hbm, agg_hbm, cnt_hbm,
           idx_v, r0, r1, r2, r3, ones_v, agg_s, cnt_s,
           l0, l1, l2, l3, a0, a1, a2, a3):
        cid = lax.axis_index("c")
        sid = lax.axis_index("s")
        wid = sid * NC + cid

        o16 = jnp.ones((16,), f32)

        def fo(i, carry):
            ones_v[i, :] = o16
            return carry

        lax.fori_loop(0, C, fo, 0)

        pltpu.sync_copy(z32_hbm, agg_s.at[pl.ds(sid * RPS, RPS)])
        pltpu.sync_copy(z16_hbm, cnt_s.at[pl.ds(sid * RPS, RPS)])
        pltpu.sync_copy(dst_hbm.at[wid], idx_v)
        plsc.subcore_barrier()

        rows = (r0, r1, r2, r3)
        lsem = (l0, l1, l2, l3)
        asem = (a0, a1, a2, a3)

        def body(t, carry):
            j = 4 * t
            lds = [pltpu.async_copy(
                msg_hbm.at[pl.ds((wid * NCH + j + i) * C, C)], rows[i],
                lsem[i]) for i in range(4)]
            sca = []
            for i in range(4):
                lds[i].wait()
                sca.append(pltpu.async_copy(
                    rows[i], agg_s.at[idx_v.at[j + i]], asem[i], add=True))
                pltpu.sync_copy(ones_v, cnt_s.at[idx_v.at[j + i]], add=True)
            for i in range(4):
                sca[i].wait()
            return carry

        lax.fori_loop(0, NCH // 4, body, 0)
        plsc.subcore_barrier()

        base = cid * NP + sid * RPS
        pltpu.sync_copy(agg_s.at[pl.ds(sid * RPS, RPS)],
                        agg_hbm.at[pl.ds(base, RPS)])
        pltpu.sync_copy(cnt_s.at[pl.ds(sid * RPS, RPS)],
                        cnt_hbm.at[pl.ds(base, RPS)])

    return sk


def _msg_body(ED, D, HNN, ea_ref, xj_ref, w1t_ref, b1_ref, w2ct_ref,
              out_ref, u_ref):
    be = ea_ref.shape[0]
    eaT = ea_ref[...].T
    he = jnp.dot(w1t_ref[...], eaT, preferred_element_type=f32)
    he = jnp.maximum(he + b1_ref[...], 0.0)
    xjT = xj_ref[...].astype(f32).T
    del be
    for h in range(HNN):
        u_ref[h * D:(h + 1) * D, :] = (xjT * he[h:h + 1, :]).astype(bf16)
    u_ref[HNN * D:HNN * D + D, :] = xjT.astype(bf16)
    msgT = jnp.dot(w2ct_ref[...], u_ref[...], preferred_element_type=f32)
    out_ref[...] = msgT.T


def _tail_body(D, x_ref, agg0_ref, agg1_ref, cnt0_ref, cnt1_ref, wr_ref,
               bc_ref, wih_ref, bih_ref, whh_ref, bhh_ref, xo_ref, hn_ref):
    xb = x_ref[...]
    s = agg0_ref[...] + agg1_ref[...]
    c = cnt0_ref[:, 0:1] + cnt1_ref[:, 0:1]
    mean = s / jnp.maximum(c, 1.0)
    conv = mean + jnp.dot(xb, wr_ref[...], preferred_element_type=f32)
    conv = conv + bc_ref[...]
    xin = jnp.maximum(conv, 0.0) + (jnp.exp(jnp.minimum(conv, 0.0)) - 1.0)
    gi = jnp.dot(xin, wih_ref[...], preferred_element_type=f32) + bih_ref[...]
    gh = jnp.dot(xb, whh_ref[...], preferred_element_type=f32) + bhh_ref[...]
    r = jax.nn.sigmoid(gi[:, :D] + gh[:, :D])
    z = jax.nn.sigmoid(gi[:, D:2 * D] + gh[:, D:2 * D])
    n = jnp.tanh(gi[:, 2 * D:] + r * gh[:, 2 * D:])
    hn = (1.0 - z) * n + z * xb
    hn_ref[...] = hn
    xo_ref[...] = jnp.maximum(hn + xb, 0.0)


def kernel(x, edge_index, edge_attr, W1, b1, W2, b2, W_root, b_conv,
           W_ih, W_hh, b_ih, b_hh):
    N, D = x.shape
    E = edge_index.shape[1]
    ED = edge_attr.shape[1]
    HNN = W1.shape[1]

    NCH = -(-E // (NW * C))
    EP = NW * NCH * C
    BN = 1000
    NP = BN
    while NP < N + 1 or NP % (NS * 8) != 0:
        NP += BN
    RPS = NP // NS
    pad = EP - E

    src = edge_index[0]
    dst = edge_index[1]
    src_p = jnp.concatenate([src, jnp.zeros((pad,), i32)]).reshape(NW * NCH, C)
    dst_p = jnp.concatenate([dst, jnp.full((pad,), N, i32)]).reshape(NW, NCH, C)

    NCH0 = NCH1 = NCH
    x_j = _gather_kernel(N, D, NCH, NCH0, NCH1)(x.astype(bf16), src_p)

    W1T = W1.T
    b1c = b1[:, None]
    W2c = W2.reshape(HNN, D, D).transpose(2, 0, 1).reshape(D, HNN * D)
    W2full = jnp.concatenate([W2c, b2.reshape(D, D).T], axis=1)

    BE = 1280
    n_blk = E // BE
    msg_p = pl.pallas_call(
        functools.partial(_msg_body, ED, D, HNN),
        grid=(n_blk,),
        in_specs=[
            pl.BlockSpec((BE, ED), lambda i: (i, 0)),
            pl.BlockSpec((BE, D), lambda i: (i, 0)),
            pl.BlockSpec((HNN, ED), lambda i: (0, 0)),
            pl.BlockSpec((HNN, 1), lambda i: (0, 0)),
            pl.BlockSpec((D, HNN * D + D), lambda i: (0, 0)),
        ],
        out_specs=pl.BlockSpec((BE, D), lambda i: (i, 0)),
        out_shape=jax.ShapeDtypeStruct((EP, D), f32),
        scratch_shapes=[pltpu.VMEM((HNN * D + D, BE), bf16)],
    )(edge_attr, x_j, W1T, b1c, W2full.astype(bf16))

    z32 = jnp.zeros((RPS, D), f32)
    z16 = jnp.zeros((RPS, 16), f32)
    agg_out, cnt_out = _scatter_kernel(NP, D, NCH, RPS)(
        msg_p, dst_p, z32, z16)

    n_blk2 = N // BN
    npb = NP // BN
    x_out, h_new = pl.pallas_call(
        functools.partial(_tail_body, D),
        grid=(n_blk2,),
        in_specs=[
            pl.BlockSpec((BN, D), lambda i: (i, 0)),
            pl.BlockSpec((BN, D), lambda i: (i, 0)),
            pl.BlockSpec((BN, D), lambda i: (i + npb, 0)),
            pl.BlockSpec((BN, 16), lambda i: (i, 0)),
            pl.BlockSpec((BN, 16), lambda i: (i + npb, 0)),
            pl.BlockSpec((D, D), lambda i: (0, 0)),
            pl.BlockSpec((1, D), lambda i: (0, 0)),
            pl.BlockSpec((D, 3 * D), lambda i: (0, 0)),
            pl.BlockSpec((1, 3 * D), lambda i: (0, 0)),
            pl.BlockSpec((D, 3 * D), lambda i: (0, 0)),
            pl.BlockSpec((1, 3 * D), lambda i: (0, 0)),
        ],
        out_specs=[
            pl.BlockSpec((BN, D), lambda i: (i, 0)),
            pl.BlockSpec((BN, D), lambda i: (i, 0)),
        ],
        out_shape=[
            jax.ShapeDtypeStruct((N, D), f32),
            jax.ShapeDtypeStruct((N, D), f32),
        ],
    )(x, agg_out, agg_out, cnt_out, cnt_out, W_root, b_conv[None, :],
      W_ih.T, b_ih[None, :], W_hh.T, b_hh[None, :])

    return (x_out, h_new[None, :, :])

# --- scband reference (transcript-rebuilt; emitter-appended) ---
"""Pipeline reference for scband-message-block-56435870270134 (READ-ONLY COPY).

The authoritative reference and input builder live on the scoring server;
editing this copy changes nothing except your own understanding.
"""

import jax, jax.numpy as jnp
import numpy as np

N = 10000
E = 160000
D = 32      # in_dim == out_dim (required by residual + GRU wiring)
ED = 16     # edge feature dim
HNN = 32    # hidden dim of edge nn

def setup_inputs(seed: int = 0) -> dict:
    key = jax.random.key(seed)
    ks = jax.random.split(key, 12)
    x = jax.random.normal(ks[0], (N, D), dtype=jnp.float32)
    edge_index = jax.random.randint(ks[1], (2, E), 0, N, dtype=jnp.int32)
    edge_attr = jax.random.normal(ks[2], (E, ED), dtype=jnp.float32)
    # edge nn: Linear(16,32) -> ReLU -> Linear(32, D*D)
    W1 = jax.random.normal(ks[3], (ED, HNN), dtype=jnp.float32) / np.sqrt(ED)
    b1 = jnp.zeros((HNN,), dtype=jnp.float32)
    W2 = jax.random.normal(ks[4], (HNN, D * D), dtype=jnp.float32) / np.sqrt(HNN)
    b2 = jnp.zeros((D * D,), dtype=jnp.float32)
    # NNConv root weight (Linear bias=False) + conv bias
    W_root = jax.random.normal(ks[5], (D, D), dtype=jnp.float32) / np.sqrt(D)
    b_conv = jnp.zeros((D,), dtype=jnp.float32)
    # GRU(D, D): weight_ih [3D, D], weight_hh [3D, D], biases [3D] (gate order r,z,n)
    s = 1.0 / np.sqrt(D)
    W_ih = jax.random.uniform(ks[6], (3 * D, D), dtype=jnp.float32, minval=-s, maxval=s)
    W_hh = jax.random.uniform(ks[7], (3 * D, D), dtype=jnp.float32, minval=-s, maxval=s)
    b_ih = jax.random.uniform(ks[8], (3 * D,), dtype=jnp.float32, minval=-s, maxval=s)
    b_hh = jax.random.uniform(ks[9], (3 * D,), dtype=jnp.float32, minval=-s, maxval=s)
    return {"x": x, "edge_index": edge_index, "edge_attr": edge_attr,
            "W1": W1, "b1": b1, "W2": W2, "b2": b2,
            "W_root": W_root, "b_conv": b_conv,
            "W_ih": W_ih, "W_hh": W_hh, "b_ih": b_ih, "b_hh": b_hh}

def reference(x, edge_index, edge_attr, W1, b1, W2, b2, W_root, b_conv, W_ih, W_hh, b_ih, b_hh):
    identity = x
    h0 = x  # h = x.unsqueeze(0); squeeze the seq dim, work in [N, D]
    # norm = _None, dropout = Dropout(0.2) in eval -> identity
    # ---- NNConv(in=D, out=D, aggr='mean') ----
    src = edge_index[0]
    dst = edge_index[1]
    h_e = jax.nn.relu(edge_attr @ W1 + b1)                 # [E, 32]
    W_e = (h_e @ W2 + b2).reshape(E, D, D)                 # [E, in, out]
    x_j = jnp.take(x, src, axis=0)                         # gather source features [E, D]
    msg = jnp.einsum('ei,eio->eo', x_j, W_e)               # per-edge matvec [E, D]
    agg_sum = jax.ops.segment_sum(msg, dst, num_segments=N)
    cnt = jax.ops.segment_sum(jnp.ones((E,), dtype=msg.dtype), dst, num_segments=N)
    agg = agg_sum / jnp.clip(cnt, 1.0, None)[:, None]      # mean aggregation (0 for isolated nodes)
    conv_out = agg + x @ W_root + b_conv                   # root weight + bias
    # ---- celu + single-step GRU ----
    xin = jax.nn.celu(conv_out)
    gi = xin @ W_ih.T + b_ih                               # [N, 3D]
    gh = h0 @ W_hh.T + b_hh                                # [N, 3D]
    r = jax.nn.sigmoid(gi[:, :D] + gh[:, :D])
    z = jax.nn.sigmoid(gi[:, D:2 * D] + gh[:, D:2 * D])
    n = jnp.tanh(gi[:, 2 * D:] + r * gh[:, 2 * D:])
    h_new = (1.0 - z) * n + z * h0                         # [N, D]
    x_out = h_new
    # ---- residual + ReLU ----
    x_out = x_out + identity
    x_out = jax.nn.relu(x_out)
    return (x_out, h_new[None, :, :])

if __name__ == "__main__":
    import jax
    _d = setup_inputs()
    print(jax.jit(kernel)(*tuple(_d.values())))

</pallas_src>

<mosaic_0001>
#map = affine_map<(d0, d1) -> (0, 0)>
module attributes {stable_mosaic.version = 14 : i64} {
  func.func @gk(%arg0: i32, %arg1: i32, %arg2: memref<10000x32xbf16, #tpu.memory_space<hbm>>, %arg3: memref<1280x128xi32, #tpu.memory_space<hbm>>, %arg4: memref<163840x32xbf16, #tpu.memory_space<hbm>>, %arg5: memref<40x128xi32, #tpu.memory_space<vmem>>, %arg6: memref<128x32xbf16, #tpu.memory_space<vmem>>, %arg7: memref<128x32xbf16, #tpu.memory_space<vmem>>, %arg8: memref<128x32xbf16, #tpu.memory_space<vmem>>, %arg9: memref<128x32xbf16, #tpu.memory_space<vmem>>, %arg10: memref<!tpu.dma_semaphore, #tpu.memory_space<semaphore_mem>>, %arg11: memref<!tpu.dma_semaphore, #tpu.memory_space<semaphore_mem>>, %arg12: memref<!tpu.dma_semaphore, #tpu.memory_space<semaphore_mem>>, %arg13: memref<!tpu.dma_semaphore, #tpu.memory_space<semaphore_mem>>) attributes {dimension_semantics = [#tpu.dimension_semantics<core_parallel>, #tpu.dimension_semantics<subcore_parallel>], iteration_bounds = array<i64: 2, 16>, scalar_prefetch = 0 : i64, scratch_operands = 9 : i64, tpu.core_type = #tpu.core_type<sc_vector_subcore>, window_params = [{transform_indices = #map}, {transform_indices = #map}, {transform_indices = #map}]} {
    %eq3A = arith.constant 0 : i32
    %eq3A_0 = arith.cmpi eq, %arg0, %eq3A : i32
    %mul3A = arith.constant 40 : i32
    %mul3A_1 = arith.muli %arg1, %mul3A : i32
    %mul3A_2 = arith.constant 40 : i32
    %mul3A_3 = arith.muli %arg1, %mul3A_2 : i32
    %add3A = arith.constant 640 : i32
    %add3A_4 = arith.addi %add3A, %mul3A_3 : i32
    %select_n3A = arith.select %eq3A_0, %mul3A_1, %add3A_4 : i32
    %eq3A_5 = arith.constant 0 : i32
    %eq3A_6 = arith.cmpi eq, %arg0, %eq3A_5 : i32
    %jit3A = arith.constant 40 : i32
    %jit3A_7 = arith.constant 40 : i32
    %select_n3A_8 = arith.select %eq3A_6, %jit3A, %jit3A_7 : i32
    "tpu.region"() ({
      %run_scoped3A = tpu.sem_alloc : memref<!tpu.dma_semaphore, #tpu.memory_space<semaphore_mem>>
      %dma_start3A = arith.constant 0 : i32
      %dma_start3A_36 = tpu.memref_slice %arg3[%select_n3A, %dma_start3A] : memref<1280x128xi32, #tpu.memory_space<hbm>> -> memref<40x128xi32, #tpu.memory_space<hbm>>
      %dma_start3A_37 = arith.constant 0 : i32
      %dma_start3A_38 = tpu.memref_slice %arg3[%select_n3A, %dma_start3A_37] : memref<1280x128xi32, #tpu.memory_space<hbm>> -> memref<40x128xi32, #tpu.memory_space<hbm>>
      tpu.enqueue_dma source(%dma_start3A_38 : memref<40x128xi32, #tpu.memory_space<hbm>>) target(%arg5 : memref<40x128xi32, #tpu.memory_space<vmem>>) target_semaphore(%run_scoped3A : memref<!tpu.dma_semaphore, #tpu.memory_space<semaphore_mem>>)
      %dma_wait3A = arith.constant 0 : i32
      %dma_wait3A_39 = tpu.memref_slice %arg3[%select_n3A, %dma_wait3A] : memref<1280x128xi32, #tpu.memory_space<hbm>> -> memref<40x128xi32, #tpu.memory_space<hbm>>
      %dma_wait3A_40 = arith.constant 0 : i32
      %dma_wait3A_41 = tpu.memref_slice %arg3[%select_n3A, %dma_wait3A_40] : memref<1280x128xi32, #tpu.memory_space<hbm>> -> memref<40x128xi32, #tpu.memory_space<hbm>>
      tpu.wait_dma2 semaphore(%run_scoped3A : memref<!tpu.dma_semaphore, #tpu.memory_space<semaphore_mem>>) src(%dma_wait3A_41 : memref<40x128xi32, #tpu.memory_space<hbm>>) dst(%arg5 : memref<40x128xi32, #tpu.memory_space<vmem>>)
      tpu.yield
    }) : () -> ()
    %jit3A_9 = arith.constant 4 : i32
    %div3A = arith.divsi %select_n3A_8, %jit3A_9 : i32
    %sign3A = arith.constant 0 : i32
    %sign3A_10 = arith.cmpi sgt, %select_n3A_8, %sign3A : i32
    %sign3A_11 = arith.extui %sign3A_10 : i1 to i32
    %sign3A_12 = arith.constant 0 : i32
    %sign3A_13 = arith.cmpi slt, %select_n3A_8, %sign3A_12 : i32
    %sign3A_14 = arith.extui %sign3A_13 : i1 to i32
    %sign3A_15 = arith.subi %sign3A_11, %sign3A_14 : i32
    %sign3A_16 = arith.constant 0 : i32
    %sign3A_17 = arith.cmpi sgt, %jit3A_9, %sign3A_16 : i32
    %sign3A_18 = arith.extui %sign3A_17 : i1 to i32
    %sign3A_19 = arith.constant 0 : i32
    %sign3A_20 = arith.cmpi slt, %jit3A_9, %sign3A_19 : i32
    %sign3A_21 = arith.extui %sign3A_20 : i1 to i32
    %sign3A_22 = arith.subi %sign3A_18, %sign3A_21 : i32
    %ne3A = arith.cmpi ne, %sign3A_15, %sign3A_22 : i32
    %rem3A = arith.remsi %select_n3A_8, %jit3A_9 : i32
    %ne3A_23 = arith.constant 0 : i32
    %ne3A_24 = arith.cmpi ne, %rem3A, %ne3A_23 : i32
    %and3A = arith.andi %ne3A, %ne3A_24 : i1
    %sub3A = arith.constant 1 : i32
    %sub3A_25 = arith.subi %div3A, %sub3A : i32
    %select_n3A_26 = arith.select %and3A, %sub3A_25, %div3A : i32
    %while3A = arith.constant 0 : i32
    %while3A_27 = arith.constant 0 : i32
    %while3A_28 = arith.subi %select_n3A_26, %while3A_27 : i32
    %while3A_29 = arith.addi %while3A_27, %while3A_28 : i32
    %while3A_30 = arith.constant 1 : i32
    %while3A_31 = arith.divsi %while3A_28, %while3A_30 : i32
    %while3A_32 = arith.muli %while3A_31, %while3A_30 : i32
    %while3A_33 = arith.addi %while3A_27, %while3A_32 : i32
    %while3A_34 = arith.constant 1 : i32
    scf.for %while3A_36 = %while3A_27 to %while3A_33 step %while3A_34  : i32 {
      %mul3A_37 = arith.constant 4 : i32
      %mul3A_38 = arith.muli %mul3A_37, %while3A_36 : i32
      %add3A_39 = arith.constant 0 : i32
      %add3A_40 = arith.addi %mul3A_38, %add3A_39 : i32
      %dma_start3A = arith.constant 0 : i32
      %dma_start3A_41 = tpu.memref_slice %arg5[%add3A_40, %dma_start3A] : memref<40x128xi32, #tpu.memory_space<vmem>> -> memref<1x128xi32, #tpu.memory_space<vmem>>
      %dma_start3A_42 = tpu.memref_squeeze %dma_start3A_41 : memref<1x128xi32, #tpu.memory_space<vmem>> -> memref<128xi32, #tpu.memory_space<vmem>>
      %dma_start3A_43 = arith.constant 0 : i32
      %dma_start3A_44 = arith.constant 0 : i32
      %dma_start3A_45 = tpu.memref_slice %arg2[%dma_start3A_43, %dma_start3A_44] : memref<10000x32xbf16, #tpu.memory_space<hbm>> -> memref<10000x32xbf16, #tpu.memory_space<hbm>>
      tpu.enqueue_indirect_dma source(%dma_start3A_45 : memref<10000x32xbf16, #tpu.memory_space<hbm>>) target(%arg6 : memref<128x32xbf16, #tpu.memory_space<vmem>>) offsets(%dma_start3A_42 : memref<128xi32, #tpu.memory_space<vmem>>) semaphore(%arg10 : memref<!tpu.dma_semaphore, #tpu.memory_space<semaphore_mem>>)
      %add3A_46 = arith.constant 1 : i32
      %add3A_47 = arith.addi %mul3A_38, %add3A_46 : i32
      %dma_start3A_48 = arith.constant 0 : i32
      %dma_start3A_49 = tpu.memref_slice %arg5[%add3A_47, %dma_start3A_48] : memref<40x128xi32, #tpu.memory_space<vmem>> -> memref<1x128xi32, #tpu.memory_space<vmem>>
      %dma_start3A_50 = tpu.memref_squeeze %dma_start3A_49 : memref<1x128xi32, #tpu.memory_space<vmem>> -> memref<128xi32, #tpu.memory_space<vmem>>
      %dma_start3A_51 = arith.constant 0 : i32
      %dma_start3A_52 = arith.constant 0 : i32
      %dma_start3A_53 = tpu.memref_slice %arg2[%dma_start3A_51, %dma_start3A_52] : memref<10000x32xbf16, #tpu.memory_space<hbm>> -> memref<10000x32xbf16, #tpu.memory_space<hbm>>
      tpu.enqueue_indirect_dma source(%dma_start3A_53 : memref<10000x32xbf16, #tpu.memory_space<hbm>>) target(%arg7 : memref<128x32xbf16, #tpu.memory_space<vmem>>) offsets(%dma_start3A_50 : memref<128xi32, #tpu.memory_space<vmem>>) semaphore(%arg11 : memref<!tpu.dma_semaphore, #tpu.memory_space<semaphore_mem>>)
      %add3A_54 = arith.constant 2 : i32
      %add3A_55 = arith.addi %mul3A_38, %add3A_54 : i32
      %dma_start3A_56 = arith.constant 0 : i32
      %dma_start3A_57 = tpu.memref_slice %arg5[%add3A_55, %dma_start3A_56] : memref<40x128xi32, #tpu.memory_space<vmem>> -> memref<1x128xi32, #tpu.memory_space<vmem>>
      %dma_start3A_58 = tpu.memref_squeeze %dma_start3A_57 : memref<1x128xi32, #tpu.memory_space<vmem>> -> memref<128xi32, #tpu.memory_space<vmem>>
      %dma_start3A_59 = arith.constant 0 : i32
      %dma_start3A_60 = arith.constant 0 : i32
      %dma_start3A_61 = tpu.memref_slice %arg2[%dma_start3A_59, %dma_start3A_60] : memref<10000x32xbf16, #tpu.memory_space<hbm>> -> memref<10000x32xbf16, #tpu.memory_space<hbm>>
      tpu.enqueue_indirect_dma source(%dma_start3A_61 : memref<10000x32xbf16, #tpu.memory_space<hbm>>) target(%arg8 : memref<128x32xbf16, #tpu.memory_space<vmem>>) offsets(%dma_start3A_58 : memref<128xi32, #tpu.memory_space<vmem>>) semaphore(%arg12 : memref<!tpu.dma_semaphore, #tpu.memory_space<semaphore_mem>>)
      %add3A_62 = arith.constant 3 : i32
      %add3A_63 = arith.addi %mul3A_38, %add3A_62 : i32
      %dma_start3A_64 = arith.constant 0 : i32
      %dma_start3A_65 = tpu.memref_slice %arg5[%add3A_63, %dma_start3A_64] : memref<40x128xi32, #tpu.memory_space<vmem>> -> memref<1x128xi32, #tpu.memory_space<vmem>>
      %dma_start3A_66 = tpu.memref_squeeze %dma_start3A_65 : memref<1x128xi32, #tpu.memory_space<vmem>> -> memref<128xi32, #tpu.memory_space<vmem>>
      %dma_start3A_67 = arith.constant 0 : i32
      %dma_start3A_68 = arith.constant 0 : i32
      %dma_start3A_69 = tpu.memref_slice %arg2[%dma_start3A_67, %dma_start3A_68] : memref<10000x32xbf16, #tpu.memory_space<hbm>> -> memref<10000x32xbf16, #tpu.memory_space<hbm>>
      tpu.enqueue_indirect_dma source(%dma_start3A_69 : memref<10000x32xbf16, #tpu.memory_space<hbm>>) target(%arg9 : memref<128x32xbf16, #tpu.memory_space<vmem>>) offsets(%dma_start3A_66 : memref<128xi32, #tpu.memory_space<vmem>>) semaphore(%arg13 : memref<!tpu.dma_semaphore, #tpu.memory_space<semaphore_mem>>)
      %dma_wait3A = arith.constant 0 : i32
      %dma_wait3A_70 = tpu.memref_slice %arg5[%add3A_40, %dma_wait3A] : memref<40x128xi32, #tpu.memory_space<vmem>> -> memref<1x128xi32, #tpu.memory_space<vmem>>
      %dma_wait3A_71 = tpu.memref_squeeze %dma_wait3A_70 : memref<1x128xi32, #tpu.memory_space<vmem>> -> memref<128xi32, #tpu.memory_space<vmem>>
      %dma_wait3A_72 = arith.constant 0 : i32
      %dma_wait3A_73 = arith.constant 0 : i32
      %dma_wait3A_74 = tpu.memref_slice %arg2[%dma_wait3A_72, %dma_wait3A_73] : memref<10000x32xbf16, #tpu.memory_space<hbm>> -> memref<10000x32xbf16, #tpu.memory_space<hbm>>
      tpu.wait_indirect_dma semaphore(%arg10 : memref<!tpu.dma_semaphore, #tpu.memory_space<semaphore_mem>>) src(%dma_wait3A_74 : memref<10000x32xbf16, #tpu.memory_space<hbm>>) dst(%arg6 : memref<128x32xbf16, #tpu.memory_space<vmem>>)
      %add3A_75 = arith.addi %select_n3A, %mul3A_38 : i32
      %add3A_76 = arith.constant 0 : i32
      %add3A_77 = arith.addi %add3A_75, %add3A_76 : i32
      %mul3A_78 = arith.constant 128 : i32
      %mul3A_79 = arith.muli %add3A_77, %mul3A_78 : i32
      "tpu.region"() ({
        %run_scoped3A = tpu.sem_alloc : memref<!tpu.dma_semaphore, #tpu.memory_space<semaphore_mem>>
        %dma_start3A_113 = arith.constant 0 : i32
        %dma_start3A_114 = tpu.memref_slice %arg4[%mul3A_79, %dma_start3A_113] : memref<163840x32xbf16, #tpu.memory_space<hbm>> -> memref<128x32xbf16, #tpu.memory_space<hbm>>
        %dma_start3A_115 = arith.constant 0 : i32
        %dma_start3A_116 = tpu.memref_slice %arg4[%mul3A_79, %dma_start3A_115] : memref<163840x32xbf16, #tpu.memory_space<hbm>> -> memref<128x32xbf16, #tpu.memory_space<hbm>>
        tpu.enqueue_dma source(%arg6 : memref<128x32xbf16, #tpu.memory_space<vmem>>) target(%dma_start3A_116 : memref<128x32xbf16, #tpu.memory_space<hbm>>) target_semaphore(%run_scoped3A : memref<!tpu.dma_semaphore, #tpu.memory_space<semaphore_mem>>)
        %dma_wait3A_117 = arith.constant 0 : i32
        %dma_wait3A_118 = tpu.memref_slice %arg4[%mul3A_79, %dma_wait3A_117] : memref<163840x32xbf16, #tpu.memory_space<hbm>> -> memref<128x32xbf16, #tpu.memory_space<hbm>>
        %dma_wait3A_119 = arith.constant 0 : i32
        %dma_wait3A_120 = tpu.memref_slice %arg4[%mul3A_79, %dma_wait3A_119] : memref<163840x32xbf16, #tpu.memory_space<hbm>> -> memref<128x32xbf16, #tpu.memory_space<hbm>>
        tpu.wait_dma2 semaphore(%run_scoped3A : memref<!tpu.dma_semaphore, #tpu.memory_space<semaphore_mem>>) src(%arg6 : memref<128x32xbf16, #tpu.memory_space<vmem>>) dst(%dma_wait3A_120 : memref<128x32xbf16, #tpu.memory_space<hbm>>)
        tpu.yield
      }) : () -> ()
      %dma_wait3A_80 = arith.constant 0 : i32
      %dma_wait3A_81 = tpu.memref_slice %arg5[%add3A_47, %dma_wait3A_80] : memref<40x128xi32, #tpu.memory_space<vmem>> -> memref<1x128xi32, #tpu.memory_space<vmem>>
      %dma_wait3A_82 = tpu.memref_squeeze %dma_wait3A_81 : memref<1x128xi32, #tpu.memory_space<vmem>> -> memref<128xi32, #tpu.memory_space<vmem>>
      %dma_wait3A_83 = arith.constant 0 : i32
      %dma_wait3A_84 = arith.constant 0 : i32
      %dma_wait3A_85 = tpu.memref_slice %arg2[%dma_wait3A_83, %dma_wait3A_84] : memref<10000x32xbf16, #tpu.memory_space<hbm>> -> memref<10000x32xbf16, #tpu.memory_space<hbm>>
      tpu.wait_indirect_dma semaphore(%arg11 : memref<!tpu.dma_semaphore, #tpu.memory_space<semaphore_mem>>) src(%dma_wait3A_85 : memref<10000x32xbf16, #tpu.memory_space<hbm>>) dst(%arg7 : memref<128x32xbf16, #tpu.memory_space<vmem>>)
      %add3A_86 = arith.addi %select_n3A, %mul3A_38 : i32
      %add3A_87 = arith.constant 1 : i32
      %add3A_88 = arith.addi %add3A_86, %add3A_87 : i32
      %mul3A_89 = arith.constant 128 : i32
      %mul3A_90 = arith.muli %add3A_88, %mul3A_89 : i32
      "tpu.region"() ({
        %run_scoped3A = tpu.sem_alloc : memref<!tpu.dma_semaphore, #tpu.memory_space<semaphore_mem>>
        %dma_start3A_113 = arith.constant 0 : i32
        %dma_start3A_114 = tpu.memref_slice %arg4[%mul3A_90, %dma_start3A_113] : memref<163840x32xbf16, #tpu.memory_space<hbm>> -> memref<128x32xbf16, #tpu.memory_space<hbm>>
        %dma_start3A_115 = arith.constant 0 : i32
        %dma_start3A_116 = tpu.memref_slice %arg4[%mul3A_90, %dma_start3A_115] : memref<163840x32xbf16, #tpu.memory_space<hbm>> -> memref<128x32xbf16, #tpu.memory_space<hbm>>
        tpu.enqueue_dma source(%arg7 : memref<128x32xbf16, #tpu.memory_space<vmem>>) target(%dma_start3A_116 : memref<128x32xbf16, #tpu.memory_space<hbm>>) target_semaphore(%run_scoped3A : memref<!tpu.dma_semaphore, #tpu.memory_space<semaphore_mem>>)
        %dma_wait3A_117 = arith.constant 0 : i32
        %dma_wait3A_118 = tpu.memref_slice %arg4[%mul3A_90, %dma_wait3A_117] : memref<163840x32xbf16, #tpu.memory_space<hbm>> -> memref<128x32xbf16, #tpu.memory_space<hbm>>
        %dma_wait3A_119 = arith.constant 0 : i32
        %dma_wait3A_120 = tpu.memref_slice %arg4[%mul3A_90, %dma_wait3A_119] : memref<163840x32xbf16, #tpu.memory_space<hbm>> -> memref<128x32xbf16, #tpu.memory_space<hbm>>
        tpu.wait_dma2 semaphore(%run_scoped3A : memref<!tpu.dma_semaphore, #tpu.memory_space<semaphore_mem>>) src(%arg7 : memref<128x32xbf16, #tpu.memory_space<vmem>>) dst(%dma_wait3A_120 : memref<128x32xbf16, #tpu.memory_space<hbm>>)
        tpu.yield
      }) : () -> ()
      %dma_wait3A_91 = arith.constant 0 : i32
      %dma_wait3A_92 = tpu.memref_slice %arg5[%add3A_55, %dma_wait3A_91] : memref<40x128xi32, #tpu.memory_space<vmem>> -> memref<1x128xi32, #tpu.memory_space<vmem>>
      %dma_wait3A_93 = tpu.memref_squeeze %dma_wait3A_92 : memref<1x128xi32, #tpu.memory_space<vmem>> -> memref<128xi32, #tpu.memory_space<vmem>>
      %dma_wait3A_94 = arith.constant 0 : i32
      %dma_wait3A_95 = arith.constant 0 : i32
      %dma_wait3A_96 = tpu.memref_slice %arg2[%dma_wait3A_94, %dma_wait3A_95] : memref<10000x32xbf16, #tpu.memory_space<hbm>> -> memref<10000x32xbf16, #tpu.memory_space<hbm>>
      tpu.wait_indirect_dma semaphore(%arg12 : memref<!tpu.dma_semaphore, #tpu.memory_space<semaphore_mem>>) src(%dma_wait3A_96 : memref<10000x32xbf16, #tpu.memory_space<hbm>>) dst(%arg8 : memref<128x32xbf16, #tpu.memory_space<vmem>>)
      %add3A_97 = arith.addi %select_n3A, %mul3A_38 : i32
      %add3A_98 = arith.constant 2 : i32
      %add3A_99 = arith.addi %add3A_97, %add3A_98 : i32
      %mul3A_100 = arith.constant 128 : i32
      %mul3A_101 = arith.muli %add3A_99, %mul3A_100 : i32
      "tpu.region"() ({
        %run_scoped3A = tpu.sem_alloc : memref<!tpu.dma_semaphore, #tpu.memory_space<semaphore_mem>>
        %dma_start3A_113 = arith.constant 0 : i32
        %dma_start3A_114 = tpu.memref_slice %arg4[%mul3A_101, %dma_start3A_113] : memref<163840x32xbf16, #tpu.memory_space<hbm>> -> memref<128x32xbf16, #tpu.memory_space<hbm>>
        %dma_start3A_115 = arith.constant 0 : i32
        %dma_start3A_116 = tpu.memref_slice %arg4[%mul3A_101, %dma_start3A_115] : memref<163840x32xbf16, #tpu.memory_space<hbm>> -> memref<128x32xbf16, #tpu.memory_space<hbm>>
        tpu.enqueue_dma source(%arg8 : memref<128x32xbf16, #tpu.memory_space<vmem>>) target(%dma_start3A_116 : memref<128x32xbf16, #tpu.memory_space<hbm>>) target_semaphore(%run_scoped3A : memref<!tpu.dma_semaphore, #tpu.memory_space<semaphore_mem>>)
        %dma_wait3A_117 = arith.constant 0 : i32
        %dma_wait3A_118 = tpu.memref_slice %arg4[%mul3A_101, %dma_wait3A_117] : memref<163840x32xbf16, #tpu.memory_space<hbm>> -> memref<128x32xbf16, #tpu.memory_space<hbm>>
        %dma_wait3A_119 = arith.constant 0 : i32
        %dma_wait3A_120 = tpu.memref_slice %arg4[%mul3A_101, %dma_wait3A_119] : memref<163840x32xbf16, #tpu.memory_space<hbm>> -> memref<128x32xbf16, #tpu.memory_space<hbm>>
        tpu.wait_dma2 semaphore(%run_scoped3A : memref<!tpu.dma_semaphore, #tpu.memory_space<semaphore_mem>>) src(%arg8 : memref<128x32xbf16, #tpu.memory_space<vmem>>) dst(%dma_wait3A_120 : memref<128x32xbf16, #tpu.memory_space<hbm>>)
        tpu.yield
      }) : () -> ()
      %dma_wait3A_102 = arith.constant 0 : i32
      %dma_wait3A_103 = tpu.memref_slice %arg5[%add3A_63, %dma_wait3A_102] : memref<40x128xi32, #tpu.memory_space<vmem>> -> memref<1x128xi32, #tpu.memory_space<vmem>>
      %dma_wait3A_104 = tpu.memref_squeeze %dma_wait3A_103 : memref<1x128xi32, #tpu.memory_space<vmem>> -> memref<128xi32, #tpu.memory_space<vmem>>
      %dma_wait3A_105 = arith.constant 0 : i32
      %dma_wait3A_106 = arith.constant 0 : i32
      %dma_wait3A_107 = tpu.memref_slice %arg2[%dma_wait3A_105, %dma_wait3A_106] : memref<10000x32xbf16, #tpu.memory_space<hbm>> -> memref<10000x32xbf16, #tpu.memory_space<hbm>>
      tpu.wait_indirect_dma semaphore(%arg13 : memref<!tpu.dma_semaphore, #tpu.memory_space<semaphore_mem>>) src(%dma_wait3A_107 : memref<10000x32xbf16, #tpu.memory_space<hbm>>) dst(%arg9 : memref<128x32xbf16, #tpu.memory_space<vmem>>)
      %add3A_108 = arith.addi %select_n3A, %mul3A_38 : i32
      %add3A_109 = arith.constant 3 : i32
      %add3A_110 = arith.addi %add3A_108, %add3A_109 : i32
      %mul3A_111 = arith.constant 128 : i32
      %mul3A_112 = arith.muli %add3A_110, %mul3A_111 : i32
      "tpu.region"() ({
        %run_scoped3A = tpu.sem_alloc : memref<!tpu.dma_semaphore, #tpu.memory_space<semaphore_mem>>
        %dma_start3A_113 = arith.constant 0 : i32
        %dma_start3A_114 = tpu.memref_slice %arg4[%mul3A_112, %dma_start3A_113] : memref<163840x32xbf16, #tpu.memory_space<hbm>> -> memref<128x32xbf16, #tpu.memory_space<hbm>>
        %dma_start3A_115 = arith.constant 0 : i32
        %dma_start3A_116 = tpu.memref_slice %arg4[%mul3A_112, %dma_start3A_115] : memref<163840x32xbf16, #tpu.memory_space<hbm>> -> memref<128x32xbf16, #tpu.memory_space<hbm>>
        tpu.enqueue_dma source(%arg9 : memref<128x32xbf16, #tpu.memory_space<vmem>>) target(%dma_start3A_116 : memref<128x32xbf16, #tpu.memory_space<hbm>>) target_semaphore(%run_scoped3A : memref<!tpu.dma_semaphore, #tpu.memory_space<semaphore_mem>>)
        %dma_wait3A_117 = arith.constant 0 : i32
        %dma_wait3A_118 = tpu.memref_slice %arg4[%mul3A_112, %dma_wait3A_117] : memref<163840x32xbf16, #tpu.memory_space<hbm>> -> memref<128x32xbf16, #tpu.memory_space<hbm>>
        %dma_wait3A_119 = arith.constant 0 : i32
        %dma_wait3A_120 = tpu.memref_slice %arg4[%mul3A_112, %dma_wait3A_119] : memref<163840x32xbf16, #tpu.memory_space<hbm>> -> memref<128x32xbf16, #tpu.memory_space<hbm>>
        tpu.wait_dma2 semaphore(%run_scoped3A : memref<!tpu.dma_semaphore, #tpu.memory_space<semaphore_mem>>) src(%arg9 : memref<128x32xbf16, #tpu.memory_space<vmem>>) dst(%dma_wait3A_120 : memref<128x32xbf16, #tpu.memory_space<hbm>>)
        tpu.yield
      }) : () -> ()
    }
    %while3A_35 = arith.constant 1 : i32
    scf.for %while3A_36 = %while3A_33 to %while3A_29 step %while3A_35  : i32 {
      %mul3A_37 = arith.constant 4 : i32
      %mul3A_38 = arith.muli %mul3A_37, %while3A_36 : i32
      %add3A_39 = arith.constant 0 : i32
      %add3A_40 = arith.addi %mul3A_38, %add3A_39 : i32
      %dma_start3A = arith.constant 0 : i32
      %dma_start3A_41 = tpu.memref_slice %arg5[%add3A_40, %dma_start3A] : memref<40x128xi32, #tpu.memory_space<vmem>> -> memref<1x128xi32, #tpu.memory_space<vmem>>
      %dma_start3A_42 = tpu.memref_squeeze %dma_start3A_41 : memref<1x128xi32, #tpu.memory_space<vmem>> -> memref<128xi32, #tpu.memory_space<vmem>>
      %dma_start3A_43 = arith.constant 0 : i32
      %dma_start3A_44 = arith.constant 0 : i32
      %dma_start3A_45 = tpu.memref_slice %arg2[%dma_start3A_43, %dma_start3A_44] : memref<10000x32xbf16, #tpu.memory_space<hbm>> -> memref<10000x32xbf16, #tpu.memory_space<hbm>>
      tpu.enqueue_indirect_dma source(%dma_start3A_45 : memref<10000x32xbf16, #tpu.memory_space<hbm>>) target(%arg6 : memref<128x32xbf16, #tpu.memory_space<vmem>>) offsets(%dma_start3A_42 : memref<128xi32, #tpu.memory_space<vmem>>) semaphore(%arg10 : memref<!tpu.dma_semaphore, #tpu.memory_space<semaphore_mem>>)
      %add3A_46 = arith.constant 1 : i32
      %add3A_47 = arith.addi %mul3A_38, %add3A_46 : i32
      %dma_start3A_48 = arith.constant 0 : i32
      %dma_start3A_49 = tpu.memref_slice %arg5[%add3A_47, %dma_start3A_48] : memref<40x128xi32, #tpu.memory_space<vmem>> -> memref<1x128xi32, #tpu.memory_space<vmem>>
      %dma_start3A_50 = tpu.memref_squeeze %dma_start3A_49 : memref<1x128xi32, #tpu.memory_space<vmem>> -> memref<128xi32, #tpu.memory_space<vmem>>
      %dma_start3A_51 = arith.constant 0 : i32
      %dma_start3A_52 = arith.constant 0 : i32
      %dma_start3A_53 = tpu.memref_slice %arg2[%dma_start3A_51, %dma_start3A_52] : memref<10000x32xbf16, #tpu.memory_space<hbm>> -> memref<10000x32xbf16, #tpu.memory_space<hbm>>
      tpu.enqueue_indirect_dma source(%dma_start3A_53 : memref<10000x32xbf16, #tpu.memory_space<hbm>>) target(%arg7 : memref<128x32xbf16, #tpu.memory_space<vmem>>) offsets(%dma_start3A_50 : memref<128xi32, #tpu.memory_space<vmem>>) semaphore(%arg11 : memref<!tpu.dma_semaphore, #tpu.memory_space<semaphore_mem>>)
      %add3A_54 = arith.constant 2 : i32
      %add3A_55 = arith.addi %mul3A_38, %add3A_54 : i32
      %dma_start3A_56 = arith.constant 0 : i32
      %dma_start3A_57 = tpu.memref_slice %arg5[%add3A_55, %dma_start3A_56] : memref<40x128xi32, #tpu.memory_space<vmem>> -> memref<1x128xi32, #tpu.memory_space<vmem>>
      %dma_start3A_58 = tpu.memref_squeeze %dma_start3A_57 : memref<1x128xi32, #tpu.memory_space<vmem>> -> memref<128xi32, #tpu.memory_space<vmem>>
      %dma_start3A_59 = arith.constant 0 : i32
      %dma_start3A_60 = arith.constant 0 : i32
      %dma_start3A_61 = tpu.memref_slice %arg2[%dma_start3A_59, %dma_start3A_60] : memref<10000x32xbf16, #tpu.memory_space<hbm>> -> memref<10000x32xbf16, #tpu.memory_space<hbm>>
      tpu.enqueue_indirect_dma source(%dma_start3A_61 : memref<10000x32xbf16, #tpu.memory_space<hbm>>) target(%arg8 : memref<128x32xbf16, #tpu.memory_space<vmem>>) offsets(%dma_start3A_58 : memref<128xi32, #tpu.memory_space<vmem>>) semaphore(%arg12 : memref<!tpu.dma_semaphore, #tpu.memory_space<semaphore_mem>>)
      %add3A_62 = arith.constant 3 : i32
      %add3A_63 = arith.addi %mul3A_38, %add3A_62 : i32
      %dma_start3A_64 = arith.constant 0 : i32
      %dma_start3A_65 = tpu.memref_slice %arg5[%add3A_63, %dma_start3A_64] : memref<40x128xi32, #tpu.memory_space<vmem>> -> memref<1x128xi32, #tpu.memory_space<vmem>>
      %dma_start3A_66 = tpu.memref_squeeze %dma_start3A_65 : memref<1x128xi32, #tpu.memory_space<vmem>> -> memref<128xi32, #tpu.memory_space<vmem>>
      %dma_start3A_67 = arith.constant 0 : i32
      %dma_start3A_68 = arith.constant 0 : i32
      %dma_start3A_69 = tpu.memref_slice %arg2[%dma_start3A_67, %dma_start3A_68] : memref<10000x32xbf16, #tpu.memory_space<hbm>> -> memref<10000x32xbf16, #tpu.memory_space<hbm>>
      tpu.enqueue_indirect_dma source(%dma_start3A_69 : memref<10000x32xbf16, #tpu.memory_space<hbm>>) target(%arg9 : memref<128x32xbf16, #tpu.memory_space<vmem>>) offsets(%dma_start3A_66 : memref<128xi32, #tpu.memory_space<vmem>>) semaphore(%arg13 : memref<!tpu.dma_semaphore, #tpu.memory_space<semaphore_mem>>)
      %dma_wait3A = arith.constant 0 : i32
      %dma_wait3A_70 = tpu.memref_slice %arg5[%add3A_40, %dma_wait3A] : memref<40x128xi32, #tpu.memory_space<vmem>> -> memref<1x128xi32, #tpu.memory_space<vmem>>
      %dma_wait3A_71 = tpu.memref_squeeze %dma_wait3A_70 : memref<1x128xi32, #tpu.memory_space<vmem>> -> memref<128xi32, #tpu.memory_space<vmem>>
      %dma_wait3A_72 = arith.constant 0 : i32
      %dma_wait3A_73 = arith.constant 0 : i32
      %dma_wait3A_74 = tpu.memref_slice %arg2[%dma_wait3A_72, %dma_wait3A_73] : memref<10000x32xbf16, #tpu.memory_space<hbm>> -> memref<10000x32xbf16, #tpu.memory_space<hbm>>
      tpu.wait_indirect_dma semaphore(%arg10 : memref<!tpu.dma_semaphore, #tpu.memory_space<semaphore_mem>>) src(%dma_wait3A_74 : memref<10000x32xbf16, #tpu.memory_space<hbm>>) dst(%arg6 : memref<128x32xbf16, #tpu.memory_space<vmem>>)
      %add3A_75 = arith.addi %select_n3A, %mul3A_38 : i32
      %add3A_76 = arith.constant 0 : i32
      %add3A_77 = arith.addi %add3A_75, %add3A_76 : i32
      %mul3A_78 = arith.constant 128 : i32
      %mul3A_79 = arith.muli %add3A_77, %mul3A_78 : i32
      "tpu.region"() ({
        %run_scoped3A = tpu.sem_alloc : memref<!tpu.dma_semaphore, #tpu.memory_space<semaphore_mem>>
        %dma_start3A_113 = arith.constant 0 : i32
        %dma_start3A_114 = tpu.memref_slice %arg4[%mul3A_79, %dma_start3A_113] : memref<163840x32xbf16, #tpu.memory_space<hbm>> -> memref<128x32xbf16, #tpu.memory_space<hbm>>
        %dma_start3A_115 = arith.constant 0 : i32
        %dma_start3A_116 = tpu.memref_slice %arg4[%mul3A_79, %dma_start3A_115] : memref<163840x32xbf16, #tpu.memory_space<hbm>> -> memref<128x32xbf16, #tpu.memory_space<hbm>>
        tpu.enqueue_dma source(%arg6 : memref<128x32xbf16, #tpu.memory_space<vmem>>) target(%dma_start3A_116 : memref<128x32xbf16, #tpu.memory_space<hbm>>) target_semaphore(%run_scoped3A : memref<!tpu.dma_semaphore, #tpu.memory_space<semaphore_mem>>)
        %dma_wait3A_117 = arith.constant 0 : i32
        %dma_wait3A_118 = tpu.memref_slice %arg4[%mul3A_79, %dma_wait3A_117] : memref<163840x32xbf16, #tpu.memory_space<hbm>> -> memref<128x32xbf16, #tpu.memory_space<hbm>>
        %dma_wait3A_119 = arith.constant 0 : i32
        %dma_wait3A_120 = tpu.memref_slice %arg4[%mul3A_79, %dma_wait3A_119] : memref<163840x32xbf16, #tpu.memory_space<hbm>> -> memref<128x32xbf16, #tpu.memory_space<hbm>>
        tpu.wait_dma2 semaphore(%run_scoped3A : memref<!tpu.dma_semaphore, #tpu.memory_space<semaphore_mem>>) src(%arg6 : memref<128x32xbf16, #tpu.memory_space<vmem>>) dst(%dma_wait3A_120 : memref<128x32xbf16, #tpu.memory_space<hbm>>)
        tpu.yield
      }) : () -> ()
      %dma_wait3A_80 = arith.constant 0 : i32
      %dma_wait3A_81 = tpu.memref_slice %arg5[%add3A_47, %dma_wait3A_80] : memref<40x128xi32, #tpu.memory_space<vmem>> -> memref<1x128xi32, #tpu.memory_space<vmem>>
      %dma_wait3A_82 = tpu.memref_squeeze %dma_wait3A_81 : memref<1x128xi32, #tpu.memory_space<vmem>> -> memref<128xi32, #tpu.memory_space<vmem>>
      %dma_wait3A_83 = arith.constant 0 : i32
      %dma_wait3A_84 = arith.constant 0 : i32
      %dma_wait3A_85 = tpu.memref_slice %arg2[%dma_wait3A_83, %dma_wait3A_84] : memref<10000x32xbf16, #tpu.memory_space<hbm>> -> memref<10000x32xbf16, #tpu.memory_space<hbm>>
      tpu.wait_indirect_dma semaphore(%arg11 : memref<!tpu.dma_semaphore, #tpu.memory_space<semaphore_mem>>) src(%dma_wait3A_85 : memref<10000x32xbf16, #tpu.memory_space<hbm>>) dst(%arg7 : memref<128x32xbf16, #tpu.memory_space<vmem>>)
      %add3A_86 = arith.addi %select_n3A, %mul3A_38 : i32
      %add3A_87 = arith.constant 1 : i32
      %add3A_88 = arith.addi %add3A_86, %add3A_87 : i32
      %mul3A_89 = arith.constant 128 : i32
      %mul3A_90 = arith.muli %add3A_88, %mul3A_89 : i32
      "tpu.region"() ({
        %run_scoped3A = tpu.sem_alloc : memref<!tpu.dma_semaphore, #tpu.memory_space<semaphore_mem>>
        %dma_start3A_113 = arith.constant 0 : i32
        %dma_start3A_114 = tpu.memref_slice %arg4[%mul3A_90, %dma_start3A_113] : memref<163840x32xbf16, #tpu.memory_space<hbm>> -> memref<128x32xbf16, #tpu.memory_space<hbm>>
        %dma_start3A_115 = arith.constant 0 : i32
        %dma_start3A_116 = tpu.memref_slice %arg4[%mul3A_90, %dma_start3A_115] : memref<163840x32xbf16, #tpu.memory_space<hbm>> -> memref<128x32xbf16, #tpu.memory_space<hbm>>
        tpu.enqueue_dma source(%arg7 : memref<128x32xbf16, #tpu.memory_space<vmem>>) target(%dma_start3A_116 : memref<128x32xbf16, #tpu.memory_space<hbm>>) target_semaphore(%run_scoped3A : memref<!tpu.dma_semaphore, #tpu.memory_space<semaphore_mem>>)
        %dma_wait3A_117 = arith.constant 0 : i32
        %dma_wait3A_118 = tpu.memref_slice %arg4[%mul3A_90, %dma_wait3A_117] : memref<163840x32xbf16, #tpu.memory_space<hbm>> -> memref<128x32xbf16, #tpu.memory_space<hbm>>
        %dma_wait3A_119 = arith.constant 0 : i32
        %dma_wait3A_120 = tpu.memref_slice %arg4[%mul3A_90, %dma_wait3A_119] : memref<163840x32xbf16, #tpu.memory_space<hbm>> -> memref<128x32xbf16, #tpu.memory_space<hbm>>
        tpu.wait_dma2 semaphore(%run_scoped3A : memref<!tpu.dma_semaphore, #tpu.memory_space<semaphore_mem>>) src(%arg7 : memref<128x32xbf16, #tpu.memory_space<vmem>>) dst(%dma_wait3A_120 : memref<128x32xbf16, #tpu.memory_space<hbm>>)
        tpu.yield
      }) : () -> ()
      %dma_wait3A_91 = arith.constant 0 : i32
      %dma_wait3A_92 = tpu.memref_slice %arg5[%add3A_55, %dma_wait3A_91] : memref<40x128xi32, #tpu.memory_space<vmem>> -> memref<1x128xi32, #tpu.memory_space<vmem>>
      %dma_wait3A_93 = tpu.memref_squeeze %dma_wait3A_92 : memref<1x128xi32, #tpu.memory_space<vmem>> -> memref<128xi32, #tpu.memory_space<vmem>>
      %dma_wait3A_94 = arith.constant 0 : i32
      %dma_wait3A_95 = arith.constant 0 : i32
      %dma_wait3A_96 = tpu.memref_slice %arg2[%dma_wait3A_94, %dma_wait3A_95] : memref<10000x32xbf16, #tpu.memory_space<hbm>> -> memref<10000x32xbf16, #tpu.memory_space<hbm>>
      tpu.wait_indirect_dma semaphore(%arg12 : memref<!tpu.dma_semaphore, #tpu.memory_space<semaphore_mem>>) src(%dma_wait3A_96 : memref<10000x32xbf16, #tpu.memory_space<hbm>>) dst(%arg8 : memref<128x32xbf16, #tpu.memory_space<vmem>>)
      %add3A_97 = arith.addi %select_n3A, %mul3A_38 : i32
      %add3A_98 = arith.constant 2 : i32
      %add3A_99 = arith.addi %add3A_97, %add3A_98 : i32
      %mul3A_100 = arith.constant 128 : i32
      %mul3A_101 = arith.muli %add3A_99, %mul3A_100 : i32
      "tpu.region"() ({
        %run_scoped3A = tpu.sem_alloc : memref<!tpu.dma_semaphore, #tpu.memory_space<semaphore_mem>>
        %dma_start3A_113 = arith.constant 0 : i32
        %dma_start3A_114 = tpu.memref_slice %arg4[%mul3A_101, %dma_start3A_113] : memref<163840x32xbf16, #tpu.memory_space<hbm>> -> memref<128x32xbf16, #tpu.memory_space<hbm>>
        %dma_start3A_115 = arith.constant 0 : i32
        %dma_start3A_116 = tpu.memref_slice %arg4[%mul3A_101, %dma_start3A_115] : memref<163840x32xbf16, #tpu.memory_space<hbm>> -> memref<128x32xbf16, #tpu.memory_space<hbm>>
        tpu.enqueue_dma source(%arg8 : memref<128x32xbf16, #tpu.memory_space<vmem>>) target(%dma_start3A_116 : memref<128x32xbf16, #tpu.memory_space<hbm>>) target_semaphore(%run_scoped3A : memref<!tpu.dma_semaphore, #tpu.memory_space<semaphore_mem>>)
        %dma_wait3A_117 = arith.constant 0 : i32
        %dma_wait3A_118 = tpu.memref_slice %arg4[%mul3A_101, %dma_wait3A_117] : memref<163840x32xbf16, #tpu.memory_space<hbm>> -> memref<128x32xbf16, #tpu.memory_space<hbm>>
        %dma_wait3A_119 = arith.constant 0 : i32
        %dma_wait3A_120 = tpu.memref_slice %arg4[%mul3A_101, %dma_wait3A_119] : memref<163840x32xbf16, #tpu.memory_space<hbm>> -> memref<128x32xbf16, #tpu.memory_space<hbm>>
        tpu.wait_dma2 semaphore(%run_scoped3A : memref<!tpu.dma_semaphore, #tpu.memory_space<semaphore_mem>>) src(%arg8 : memref<128x32xbf16, #tpu.memory_space<vmem>>) dst(%dma_wait3A_120 : memref<128x32xbf16, #tpu.memory_space<hbm>>)
        tpu.yield
      }) : () -> ()
      %dma_wait3A_102 = arith.constant 0 : i32
      %dma_wait3A_103 = tpu.memref_slice %arg5[%add3A_63, %dma_wait3A_102] : memref<40x128xi32, #tpu.memory_space<vmem>> -> memref<1x128xi32, #tpu.memory_space<vmem>>
      %dma_wait3A_104 = tpu.memref_squeeze %dma_wait3A_103 : memref<1x128xi32, #tpu.memory_space<vmem>> -> memref<128xi32, #tpu.memory_space<vmem>>
      %dma_wait3A_105 = arith.constant 0 : i32
      %dma_wait3A_106 = arith.constant 0 : i32
      %dma_wait3A_107 = tpu.memref_slice %arg2[%dma_wait3A_105, %dma_wait3A_106] : memref<10000x32xbf16, #tpu.memory_space<hbm>> -> memref<10000x32xbf16, #tpu.memory_space<hbm>>
      tpu.wait_indirect_dma semaphore(%arg13 : memref<!tpu.dma_semaphore, #tpu.memory_space<semaphore_mem>>) src(%dma_wait3A_107 : memref<10000x32xbf16, #tpu.memory_space<hbm>>) dst(%arg9 : memref<128x32xbf16, #tpu.memory_space<vmem>>)
      %add3A_108 = arith.addi %select_n3A, %mul3A_38 : i32
      %add3A_109 = arith.constant 3 : i32
      %add3A_110 = arith.addi %add3A_108, %add3A_109 : i32
      %mul3A_111 = arith.constant 128 : i32
      %mul3A_112 = arith.muli %add3A_110, %mul3A_111 : i32
      "tpu.region"() ({
        %run_scoped3A = tpu.sem_alloc : memref<!tpu.dma_semaphore, #tpu.memory_space<semaphore_mem>>
        %dma_start3A_113 = arith.constant 0 : i32
        %dma_start3A_114 = tpu.memref_slice %arg4[%mul3A_112, %dma_start3A_113] : memref<163840x32xbf16, #tpu.memory_space<hbm>> -> memref<128x32xbf16, #tpu.memory_space<hbm>>
        %dma_start3A_115 = arith.constant 0 : i32
        %dma_start3A_116 = tpu.memref_slice %arg4[%mul3A_112, %dma_start3A_115] : memref<163840x32xbf16, #tpu.memory_space<hbm>> -> memref<128x32xbf16, #tpu.memory_space<hbm>>
        tpu.enqueue_dma source(%arg9 : memref<128x32xbf16, #tpu.memory_space<vmem>>) target(%dma_start3A_116 : memref<128x32xbf16, #tpu.memory_space<hbm>>) target_semaphore(%run_scoped3A : memref<!tpu.dma_semaphore, #tpu.memory_space<semaphore_mem>>)
        %dma_wait3A_117 = arith.constant 0 : i32
        %dma_wait3A_118 = tpu.memref_slice %arg4[%mul3A_112, %dma_wait3A_117] : memref<163840x32xbf16, #tpu.memory_space<hbm>> -> memref<128x32xbf16, #tpu.memory_space<hbm>>
        %dma_wait3A_119 = arith.constant 0 : i32
        %dma_wait3A_120 = tpu.memref_slice %arg4[%mul3A_112, %dma_wait3A_119] : memref<163840x32xbf16, #tpu.memory_space<hbm>> -> memref<128x32xbf16, #tpu.memory_space<hbm>>
        tpu.wait_dma2 semaphore(%run_scoped3A : memref<!tpu.dma_semaphore, #tpu.memory_space<semaphore_mem>>) src(%arg9 : memref<128x32xbf16, #tpu.memory_space<vmem>>) dst(%dma_wait3A_120 : memref<128x32xbf16, #tpu.memory_space<hbm>>)
        tpu.yield
      }) : () -> ()
    }
    return
  }
}

#map = affine_map<(d0, d1) -> (0, 0)>
#map1 = affine_map<(d0, d1) -> (0, 0, 0)>
module attributes {stable_mosaic.version = 14 : i64} {
  func.func @sk(%arg0: i32, %arg1: i32, %arg2: memref<163840x32xf32, #tpu.memory_space<hbm>>, %arg3: memref<32x40x128xi32, #tpu.memory_space<hbm>>, %arg4: memref<1000x32xf32, #tpu.memory_space<hbm>>, %arg5: memref<1000x16xf32, #tpu.memory_space<hbm>>, %arg6: memref<32000x32xf32, #tpu.memory_space<hbm>>, %arg7: memref<32000x16xf32, #tpu.memory_space<hbm>>, %arg8: memref<40x128xi32, #tpu.memory_space<vmem>>, %arg9: memref<128x32xf32, #tpu.memory_space<vmem>>, %arg10: memref<128x32xf32, #tpu.memory_space<vmem>>, %arg11: memref<128x32xf32, #tpu.memory_space<vmem>>, %arg12: memref<128x32xf32, #tpu.memory_space<vmem>>, %arg13: memref<128x16xf32, #tpu.memory_space<vmem>>, %arg14: memref<16000x32xf32, #tpu.memory_space<vmem_shared>>, %arg15: memref<16000x16xf32, #tpu.memory_space<vmem_shared>>, %arg16: memref<!tpu.dma_semaphore, #tpu.memory_space<semaphore_mem>>, %arg17: memref<!tpu.dma_semaphore, #tpu.memory_space<semaphore_mem>>, %arg18: memref<!tpu.dma_semaphore, #tpu.memory_space<semaphore_mem>>, %arg19: memref<!tpu.dma_semaphore, #tpu.memory_space<semaphore_mem>>, %arg20: memref<!tpu.dma_semaphore, #tpu.memory_space<semaphore_mem>>, %arg21: memref<!tpu.dma_semaphore, #tpu.memory_space<semaphore_mem>>, %arg22: memref<!tpu.dma_semaphore, #tpu.memory_space<semaphore_mem>>, %arg23: memref<!tpu.dma_semaphore, #tpu.memory_space<semaphore_mem>>) attributes {dimension_semantics = [#tpu.dimension_semantics<core_parallel>, #tpu.dimension_semantics<subcore_parallel>], iteration_bounds = array<i64: 2, 16>, scalar_prefetch = 0 : i64, scratch_operands = 16 : i64, tpu.core_type = #tpu.core_type<sc_vector_subcore>, window_params = [{transform_indices = #map}, {transform_indices = #map1}, {transform_indices = #map}, {transform_indices = #map}, {transform_indices = #map}, {transform_indices = #map}]} {
    %mul3A = arith.constant 2 : i32
    %mul3A_0 = arith.muli %arg1, %mul3A : i32
    %add3A = arith.addi %mul3A_0, %arg0 : i32
    %broadcast_in_dim3A = arith.constant 1.000000e+00 : f32
    %broadcast_in_dim3A_1 = vector.broadcast %broadcast_in_dim3A : f32 to vector<16xf32>
    %scan3A = arith.constant 0 : i32
    %scan3A_2 = arith.constant 0 : i32
    %scan3A_3 = arith.constant 128 : i32
    %scan3A_4 = arith.addi %scan3A_2, %scan3A_3 : i32
    %scan3A_5 = arith.constant 1 : i32
    scf.for %scan3A_27 = %scan3A_2 to %scan3A_4 step %scan3A_5  : i32 {
      %swap3A = arith.index_cast %scan3A_27 : i32 to index
      %swap3A_28 = arith.constant 0 : index
      %swap3A_29 = tpu.vector_load %arg13[%swap3A, %swap3A_28] {strides = array<i32>} : memref<128x16xf32, #tpu.memory_space<vmem>>, vector<1x16xf32>,
      %swap3A_30 = vector.shape_cast %swap3A_29 : vector<1x16xf32> to vector<16xf32>
      %swap3A_31 = vector.shape_cast %broadcast_in_dim3A_1 : vector<16xf32> to vector<1x16xf32>
      tpu.vector_store %arg13[%swap3A, %swap3A_28], %swap3A_31 {strides = array<i32>} : memref<128x16xf32, #tpu.memory_space<vmem>>, vector<1x16xf32>,
    }
    %scan3A_6 = arith.constant 128 : i32
    %mul3A_7 = arith.constant 1000 : i32
    %mul3A_8 = arith.muli %arg1, %mul3A_7 : i32
    "tpu.region"() ({
      %run_scoped3A = tpu.sem_alloc : memref<!tpu.dma_semaphore, #tpu.memory_space<semaphore_mem>>
      %dma_start3A = arith.constant 0 : i32
      %dma_start3A_27 = tpu.memref_slice %arg14[%mul3A_8, %dma_start3A] : memref<16000x32xf32, #tpu.memory_space<vmem_shared>> -> memref<1000x32xf32, #tpu.memory_space<vmem_shared>>
      tpu.enqueue_dma source(%arg4 : memref<1000x32xf32, #tpu.memory_space<hbm>>) target(%dma_start3A_27 : memref<1000x32xf32, #tpu.memory_space<vmem_shared>>) target_semaphore(%run_scoped3A : memref<!tpu.dma_semaphore, #tpu.memory_space<semaphore_mem>>)
      %dma_wait3A = arith.constant 0 : i32
      %dma_wait3A_28 = tpu.memref_slice %arg14[%mul3A_8, %dma_wait3A] : memref<16000x32xf32, #tpu.memory_space<vmem_shared>> -> memref<1000x32xf32, #tpu.memory_space<vmem_shared>>
      tpu.wait_dma2 semaphore(%run_scoped3A : memref<!tpu.dma_semaphore, #tpu.memory_space<semaphore_mem>>) src(%arg4 : memref<1000x32xf32, #tpu.memory_space<hbm>>) dst(%dma_wait3A_28 : memref<1000x32xf32, #tpu.memory_space<vmem_shared>>)
      tpu.yield
    }) : () -> ()
    %mul3A_9 = arith.constant 1000 : i32
    %mul3A_10 = arith.muli %arg1, %mul3A_9 : i32
    "tpu.region"() ({
      %run_scoped3A = tpu.sem_alloc : memref<!tpu.dma_semaphore, #tpu.memory_space<semaphore_mem>>
      %dma_start3A = arith.constant 0 : i32
      %dma_start3A_27 = tpu.memref_slice %arg15[%mul3A_10, %dma_start3A] : memref<16000x16xf32, #tpu.memory_space<vmem_shared>> -> memref<1000x16xf32, #tpu.memory_space<vmem_shared>>
      tpu.enqueue_dma source(%arg5 : memref<1000x16xf32, #tpu.memory_space<hbm>>) target(%dma_start3A_27 : memref<1000x16xf32, #tpu.memory_space<vmem_shared>>) target_semaphore(%run_scoped3A : memref<!tpu.dma_semaphore, #tpu.memory_space<semaphore_mem>>)
      %dma_wait3A = arith.constant 0 : i32
      %dma_wait3A_28 = tpu.memref_slice %arg15[%mul3A_10, %dma_wait3A] : memref<16000x16xf32, #tpu.memory_space<vmem_shared>> -> memref<1000x16xf32, #tpu.memory_space<vmem_shared>>
      tpu.wait_dma2 semaphore(%run_scoped3A : memref<!tpu.dma_semaphore, #tpu.memory_space<semaphore_mem>>) src(%arg5 : memref<1000x16xf32, #tpu.memory_space<hbm>>) dst(%dma_wait3A_28 : memref<1000x16xf32, #tpu.memory_space<vmem_shared>>)
      tpu.yield
    }) : () -> ()
    "tpu.region"() ({
      %run_scoped3A = tpu.sem_alloc : memref<!tpu.dma_semaphore, #tpu.memory_space<semaphore_mem>>
      %dma_start3A = arith.constant 0 : i32
      %dma_start3A_27 = arith.constant 0 : i32
      %dma_start3A_28 = tpu.memref_slice %arg3[%add3A, %dma_start3A, %dma_start3A_27] : memref<32x40x128xi32, #tpu.memory_space<hbm>> -> memref<1x40x128xi32, #tpu.memory_space<hbm>>
      %dma_start3A_29 = tpu.memref_squeeze %dma_start3A_28 : memref<1x40x128xi32, #tpu.memory_space<hbm>> -> memref<40x128xi32, #tpu.memory_space<hbm>>
      %dma_start3A_30 = arith.constant 0 : i32
      %dma_start3A_31 = arith.constant 0 : i32
      %dma_start3A_32 = tpu.memref_slice %arg3[%add3A, %dma_start3A_30, %dma_start3A_31] : memref<32x40x128xi32, #tpu.memory_space<hbm>> -> memref<1x40x128xi32, #tpu.memory_space<hbm>>
      %dma_start3A_33 = tpu.memref_squeeze %dma_start3A_32 : memref<1x40x128xi32, #tpu.memory_space<hbm>> -> memref<40x128xi32, #tpu.memory_space<hbm>>
      tpu.enqueue_dma source(%dma_start3A_33 : memref<40x128xi32, #tpu.memory_space<hbm>>) target(%arg8 : memref<40x128xi32, #tpu.memory_space<vmem>>) target_semaphore(%run_scoped3A : memref<!tpu.dma_semaphore, #tpu.memory_space<semaphore_mem>>)
      %dma_wait3A = arith.constant 0 : i32
      %dma_wait3A_34 = arith.constant 0 : i32
      %dma_wait3A_35 = tpu.memref_slice %arg3[%add3A, %dma_wait3A, %dma_wait3A_34] : memref<32x40x128xi32, #tpu.memory_space<hbm>> -> memref<1x40x128xi32, #tpu.memory_space<hbm>>
      %dma_wait3A_36 = tpu.memref_squeeze %dma_wait3A_35 : memref<1x40x128xi32, #tpu.memory_space<hbm>> -> memref<40x128xi32, #tpu.memory_space<hbm>>
      %dma_wait3A_37 = arith.constant 0 : i32
      %dma_wait3A_38 = arith.constant 0 : i32
      %dma_wait3A_39 = tpu.memref_slice %arg3[%add3A, %dma_wait3A_37, %dma_wait3A_38] : memref<32x40x128xi32, #tpu.memory_space<hbm>> -> memref<1x40x128xi32, #tpu.memory_space<hbm>>
      %dma_wait3A_40 = tpu.memref_squeeze %dma_wait3A_39 : memref<1x40x128xi32, #tpu.memory_space<hbm>> -> memref<40x128xi32, #tpu.memory_space<hbm>>
      tpu.wait_dma2 semaphore(%run_scoped3A : memref<!tpu.dma_semaphore, #tpu.memory_space<semaphore_mem>>) src(%dma_wait3A_40 : memref<40x128xi32, #tpu.memory_space<hbm>>) dst(%arg8 : memref<40x128xi32, #tpu.memory_space<vmem>>)
      tpu.yield
    }) : () -> ()
    %barrier3A = arith.constant 0 : index
    tpu.barrier barrier_id(%barrier3A)
    %scan3A_11 = arith.constant 0 : i32
    %scan3A_12 = arith.constant 0 : i32
    %scan3A_13 = arith.constant 10 : i32
    %scan3A_14 = arith.addi %scan3A_12, %scan3A_13 : i32
    %scan3A_15 = arith.constant 1 : i32
    scf.for %scan3A_27 = %scan3A_12 to %scan3A_14 step %scan3A_15  : i32 {
      %mul3A_28 = arith.constant 4 : i32
      %mul3A_29 = arith.muli %mul3A_28, %scan3A_27 : i32
      %mul3A_30 = arith.constant 40 : i32
      %mul3A_31 = arith.muli %add3A, %mul3A_30 : i32
      %add3A_32 = arith.addi %mul3A_31, %mul3A_29 : i32
      %add3A_33 = arith.constant 0 : i32
      %add3A_34 = arith.addi %add3A_32, %add3A_33 : i32
      %mul3A_35 = arith.constant 128 : i32
      %mul3A_36 = arith.muli %add3A_34, %mul3A_35 : i32
      %dma_start3A = arith.constant 0 : i32
      %dma_start3A_37 = tpu.memref_slice %arg2[%mul3A_36, %dma_start3A] : memref<163840x32xf32, #tpu.memory_space<hbm>> -> memref<128x32xf32, #tpu.memory_space<hbm>>
      %dma_start3A_38 = arith.constant 0 : i32
      %dma_start3A_39 = tpu.memref_slice %arg2[%mul3A_36, %dma_start3A_38] : memref<163840x32xf32, #tpu.memory_space<hbm>> -> memref<128x32xf32, #tpu.memory_space<hbm>>
      tpu.enqueue_dma source(%dma_start3A_39 : memref<128x32xf32, #tpu.memory_space<hbm>>) target(%arg9 : memref<128x32xf32, #tpu.memory_space<vmem>>) target_semaphore(%arg16 : memref<!tpu.dma_semaphore, #tpu.memory_space<semaphore_mem>>)
      %mul3A_40 = arith.constant 40 : i32
      %mul3A_41 = arith.muli %add3A, %mul3A_40 : i32
      %add3A_42 = arith.addi %mul3A_41, %mul3A_29 : i32
      %add3A_43 = arith.constant 1 : i32
      %add3A_44 = arith.addi %add3A_42, %add3A_43 : i32
      %mul3A_45 = arith.constant 128 : i32
      %mul3A_46 = arith.muli %add3A_44, %mul3A_45 : i32
      %dma_start3A_47 = arith.constant 0 : i32
      %dma_start3A_48 = tpu.memref_slice %arg2[%mul3A_46, %dma_start3A_47] : memref<163840x32xf32, #tpu.memory_space<hbm>> -> memref<128x32xf32, #tpu.memory_space<hbm>>
      %dma_start3A_49 = arith.constant 0 : i32
      %dma_start3A_50 = tpu.memref_slice %arg2[%mul3A_46, %dma_start3A_49] : memref<163840x32xf32, #tpu.memory_space<hbm>> -> memref<128x32xf32, #tpu.memory_space<hbm>>
      tpu.enqueue_dma source(%dma_start3A_50 : memref<128x32xf32, #tpu.memory_space<hbm>>) target(%arg10 : memref<128x32xf32, #tpu.memory_space<vmem>>) target_semaphore(%arg17 : memref<!tpu.dma_semaphore, #tpu.memory_space<semaphore_mem>>)
      %mul3A_51 = arith.constant 40 : i32
      %mul3A_52 = arith.muli %add3A, %mul3A_51 : i32
      %add3A_53 = arith.addi %mul3A_52, %mul3A_29 : i32
      %add3A_54 = arith.constant 2 : i32
      %add3A_55 = arith.addi %add3A_53, %add3A_54 : i32
      %mul3A_56 = arith.constant 128 : i32
      %mul3A_57 = arith.muli %add3A_55, %mul3A_56 : i32
      %dma_start3A_58 = arith.constant 0 : i32
      %dma_start3A_59 = tpu.memref_slice %arg2[%mul3A_57, %dma_start3A_58] : memref<163840x32xf32, #tpu.memory_space<hbm>> -> memref<128x32xf32, #tpu.memory_space<hbm>>
      %dma_start3A_60 = arith.constant 0 : i32
      %dma_start3A_61 = tpu.memref_slice %arg2[%mul3A_57, %dma_start3A_60] : memref<163840x32xf32, #tpu.memory_space<hbm>> -> memref<128x32xf32, #tpu.memory_space<hbm>>
      tpu.enqueue_dma source(%dma_start3A_61 : memref<128x32xf32, #tpu.memory_space<hbm>>) target(%arg11 : memref<128x32xf32, #tpu.memory_space<vmem>>) target_semaphore(%arg18 : memref<!tpu.dma_semaphore, #tpu.memory_space<semaphore_mem>>)
      %mul3A_62 = arith.constant 40 : i32
      %mul3A_63 = arith.muli %add3A, %mul3A_62 : i32
      %add3A_64 = arith.addi %mul3A_63, %mul3A_29 : i32
      %add3A_65 = arith.constant 3 : i32
      %add3A_66 = arith.addi %add3A_64, %add3A_65 : i32
      %mul3A_67 = arith.constant 128 : i32
      %mul3A_68 = arith.muli %add3A_66, %mul3A_67 : i32
      %dma_start3A_69 = arith.constant 0 : i32
      %dma_start3A_70 = tpu.memref_slice %arg2[%mul3A_68, %dma_start3A_69] : memref<163840x32xf32, #tpu.memory_space<hbm>> -> memref<128x32xf32, #tpu.memory_space<hbm>>
      %dma_start3A_71 = arith.constant 0 : i32
      %dma_start3A_72 = tpu.memref_slice %arg2[%mul3A_68, %dma_start3A_71] : memref<163840x32xf32, #tpu.memory_space<hbm>> -> memref<128x32xf32, #tpu.memory_space<hbm>>
      tpu.enqueue_dma source(%dma_start3A_72 : memref<128x32xf32, #tpu.memory_space<hbm>>) target(%arg12 : memref<128x32xf32, #tpu.memory_space<vmem>>) target_semaphore(%arg19 : memref<!tpu.dma_semaphore, #tpu.memory_space<semaphore_mem>>)
      %dma_wait3A = arith.constant 0 : i32
      %dma_wait3A_73 = tpu.memref_slice %arg2[%mul3A_36, %dma_wait3A] : memref<163840x32xf32, #tpu.memory_space<hbm>> -> memref<128x32xf32, #tpu.memory_space<hbm>>
      %dma_wait3A_74 = arith.constant 0 : i32
      %dma_wait3A_75 = tpu.memref_slice %arg2[%mul3A_36, %dma_wait3A_74] : memref<163840x32xf32, #tpu.memory_space<hbm>> -> memref<128x32xf32, #tpu.memory_space<hbm>>
      tpu.wait_dma2 semaphore(%arg16 : memref<!tpu.dma_semaphore, #tpu.memory_space<semaphore_mem>>) src(%dma_wait3A_75 : memref<128x32xf32, #tpu.memory_space<hbm>>) dst(%arg9 : memref<128x32xf32, #tpu.memory_space<vmem>>)
      %add3A_76 = arith.constant 0 : i32
      %add3A_77 = arith.addi %mul3A_29, %add3A_76 : i32
      %dma_start3A_78 = arith.constant 0 : i32
      %dma_start3A_79 = tpu.memref_slice %arg8[%add3A_77, %dma_start3A_78] : memref<40x128xi32, #tpu.memory_space<vmem>> -> memref<1x128xi32, #tpu.memory_space<vmem>>
      %dma_start3A_80 = tpu.memref_squeeze %dma_start3A_79 : memref<1x128xi32, #tpu.memory_space<vmem>> -> memref<128xi32, #tpu.memory_space<vmem>>
      %dma_start3A_81 = arith.constant 0 : i32
      %dma_start3A_82 = arith.constant 0 : i32
      %dma_start3A_83 = tpu.memref_slice %arg14[%dma_start3A_81, %dma_start3A_82] : memref<16000x32xf32, #tpu.memory_space<vmem_shared>> -> memref<16000x32xf32, #tpu.memory_space<vmem_shared>>
      tpu.enqueue_indirect_dma source(%arg9 : memref<128x32xf32, #tpu.memory_space<vmem>>) target(%dma_start3A_83 : memref<16000x32xf32, #tpu.memory_space<vmem_shared>>) offsets(%dma_start3A_80 : memref<128xi32, #tpu.memory_space<vmem>>) semaphore(%arg20 : memref<!tpu.dma_semaphore, #tpu.memory_space<semaphore_mem>>) {add = true}
      %add3A_84 = arith.constant 0 : i32
      %add3A_85 = arith.addi %mul3A_29, %add3A_84 : i32
      "tpu.region"() ({
        %run_scoped3A = tpu.sem_alloc : memref<!tpu.dma_semaphore, #tpu.memory_space<semaphore_mem>>
        %dma_start3A_152 = arith.constant 0 : i32
        %dma_start3A_153 = tpu.memref_slice %arg8[%add3A_85, %dma_start3A_152] : memref<40x128xi32, #tpu.memory_space<vmem>> -> memref<1x128xi32, #tpu.memory_space<vmem>>
        %dma_start3A_154 = tpu.memref_squeeze %dma_start3A_153 : memref<1x128xi32, #tpu.memory_space<vmem>> -> memref<128xi32, #tpu.memory_space<vmem>>
        %dma_start3A_155 = arith.constant 0 : i32
        %dma_start3A_156 = arith.constant 0 : i32
        %dma_start3A_157 = tpu.memref_slice %arg15[%dma_start3A_155, %dma_start3A_156] : memref<16000x16xf32, #tpu.memory_space<vmem_shared>> -> memref<16000x16xf32, #tpu.memory_space<vmem_shared>>
        tpu.enqueue_indirect_dma source(%arg13 : memref<128x16xf32, #tpu.memory_space<vmem>>) target(%dma_start3A_157 : memref<16000x16xf32, #tpu.memory_space<vmem_shared>>) offsets(%dma_start3A_154 : memref<128xi32, #tpu.memory_space<vmem>>) semaphore(%run_scoped3A : memref<!tpu.dma_semaphore, #tpu.memory_space<semaphore_mem>>) {add = true}
        %dma_wait3A_158 = arith.constant 0 : i32
        %dma_wait3A_159 = tpu.memref_slice %arg8[%add3A_85, %dma_wait3A_158] : memref<40x128xi32, #tpu.memory_space<vmem>> -> memref<1x128xi32, #tpu.memory_space<vmem>>
        %dma_wait3A_160 = tpu.memref_squeeze %dma_wait3A_159 : memref<1x128xi32, #tpu.memory_space<vmem>> -> memref<128xi32, #tpu.memory_space<vmem>>
        %dma_wait3A_161 = arith.constant 0 : i32
        %dma_wait3A_162 = arith.constant 0 : i32
        %dma_wait3A_163 = tpu.memref_slice %arg15[%dma_wait3A_161, %dma_wait3A_162] : memref<16000x16xf32, #tpu.memory_space<vmem_shared>> -> memref<16000x16xf32, #tpu.memory_space<vmem_shared>>
        tpu.wait_indirect_dma semaphore(%run_scoped3A : memref<!tpu.dma_semaphore, #tpu.memory_space<semaphore_mem>>) src(%arg13 : memref<128x16xf32, #tpu.memory_space<vmem>>) dst(%dma_wait3A_163 : memref<16000x16xf32, #tpu.memory_space<vmem_shared>>)
        tpu.yield
      }) : () -> ()
      %dma_wait3A_86 = arith.constant 0 : i32
      %dma_wait3A_87 = tpu.memref_slice %arg2[%mul3A_46, %dma_wait3A_86] : memref<163840x32xf32, #tpu.memory_space<hbm>> -> memref<128x32xf32, #tpu.memory_space<hbm>>
      %dma_wait3A_88 = arith.constant 0 : i32
      %dma_wait3A_89 = tpu.memref_slice %arg2[%mul3A_46, %dma_wait3A_88] : memref<163840x32xf32, #tpu.memory_space<hbm>> -> memref<128x32xf32, #tpu.memory_space<hbm>>
      tpu.wait_dma2 semaphore(%arg17 : memref<!tpu.dma_semaphore, #tpu.memory_space<semaphore_mem>>) src(%dma_wait3A_89 : memref<128x32xf32, #tpu.memory_space<hbm>>) dst(%arg10 : memref<128x32xf32, #tpu.memory_space<vmem>>)
      %add3A_90 = arith.constant 1 : i32
      %add3A_91 = arith.addi %mul3A_29, %add3A_90 : i32
      %dma_start3A_92 = arith.constant 0 : i32
      %dma_start3A_93 = tpu.memref_slice %arg8[%add3A_91, %dma_start3A_92] : memref<40x128xi32, #tpu.memory_space<vmem>> -> memref<1x128xi32, #tpu.memory_space<vmem>>
      %dma_start3A_94 = tpu.memref_squeeze %dma_start3A_93 : memref<1x128xi32, #tpu.memory_space<vmem>> -> memref<128xi32, #tpu.memory_space<vmem>>
      %dma_start3A_95 = arith.constant 0 : i32
      %dma_start3A_96 = arith.constant 0 : i32
      %dma_start3A_97 = tpu.memref_slice %arg14[%dma_start3A_95, %dma_start3A_96] : memref<16000x32xf32, #tpu.memory_space<vmem_shared>> -> memref<16000x32xf32, #tpu.memory_space<vmem_shared>>
      tpu.enqueue_indirect_dma source(%arg10 : memref<128x32xf32, #tpu.memory_space<vmem>>) target(%dma_start3A_97 : memref<16000x32xf32, #tpu.memory_space<vmem_shared>>) offsets(%dma_start3A_94 : memref<128xi32, #tpu.memory_space<vmem>>) semaphore(%arg21 : memref<!tpu.dma_semaphore, #tpu.memory_space<semaphore_mem>>) {add = true}
      %add3A_98 = arith.constant 1 : i32
      %add3A_99 = arith.addi %mul3A_29, %add3A_98 : i32
      "tpu.region"() ({
        %run_scoped3A = tpu.sem_alloc : memref<!tpu.dma_semaphore, #tpu.memory_space<semaphore_mem>>
        %dma_start3A_152 = arith.constant 0 : i32
        %dma_start3A_153 = tpu.memref_slice %arg8[%add3A_99, %dma_start3A_152] : memref<40x128xi32, #tpu.memory_space<vmem>> -> memref<1x128xi32, #tpu.memory_space<vmem>>
        %dma_start3A_154 = tpu.memref_squeeze %dma_start3A_153 : memref<1x128xi32, #tpu.memory_space<vmem>> -> memref<128xi32, #tpu.memory_space<vmem>>
        %dma_start3A_155 = arith.constant 0 : i32
        %dma_start3A_156 = arith.constant 0 : i32
        %dma_start3A_157 = tpu.memref_slice %arg15[%dma_start3A_155, %dma_start3A_156] : memref<16000x16xf32, #tpu.memory_space<vmem_shared>> -> memref<16000x16xf32, #tpu.memory_space<vmem_shared>>
        tpu.enqueue_indirect_dma source(%arg13 : memref<128x16xf32, #tpu.memory_space<vmem>>) target(%dma_start3A_157 : memref<16000x16xf32, #tpu.memory_space<vmem_shared>>) offsets(%dma_start3A_154 : memref<128xi32, #tpu.memory_space<vmem>>) semaphore(%run_scoped3A : memref<!tpu.dma_semaphore, #tpu.memory_space<semaphore_mem>>) {add = true}
        %dma_wait3A_158 = arith.constant 0 : i32
        %dma_wait3A_159 = tpu.memref_slice %arg8[%add3A_99, %dma_wait3A_158] : memref<40x128xi32, #tpu.memory_space<vmem>> -> memref<1x128xi32, #tpu.memory_space<vmem>>
        %dma_wait3A_160 = tpu.memref_squeeze %dma_wait3A_159 : memref<1x128xi32, #tpu.memory_space<vmem>> -> memref<128xi32, #tpu.memory_space<vmem>>
        %dma_wait3A_161 = arith.constant 0 : i32
        %dma_wait3A_162 = arith.constant 0 : i32
        %dma_wait3A_163 = tpu.memref_slice %arg15[%dma_wait3A_161, %dma_wait3A_162] : memref<16000x16xf32, #tpu.memory_space<vmem_shared>> -> memref<16000x16xf32, #tpu.memory_space<vmem_shared>>
        tpu.wait_indirect_dma semaphore(%run_scoped3A : memref<!tpu.dma_semaphore, #tpu.memory_space<semaphore_mem>>) src(%arg13 : memref<128x16xf32, #tpu.memory_space<vmem>>) dst(%dma_wait3A_163 : memref<16000x16xf32, #tpu.memory_space<vmem_shared>>)
        tpu.yield
      }) : () -> ()
      %dma_wait3A_100 = arith.constant 0 : i32
      %dma_wait3A_101 = tpu.memref_slice %arg2[%mul3A_57, %dma_wait3A_100] : memref<163840x32xf32, #tpu.memory_space<hbm>> -> memref<128x32xf32, #tpu.memory_space<hbm>>
      %dma_wait3A_102 = arith.constant 0 : i32
      %dma_wait3A_103 = tpu.memref_slice %arg2[%mul3A_57, %dma_wait3A_102] : memref<163840x32xf32, #tpu.memory_space<hbm>> -> memref<128x32xf32, #tpu.memory_space<hbm>>
      tpu.wait_dma2 semaphore(%arg18 : memref<!tpu.dma_semaphore, #tpu.memory_space<semaphore_mem>>) src(%dma_wait3A_103 : memref<128x32xf32, #tpu.memory_space<hbm>>) dst(%arg11 : memref<128x32xf32, #tpu.memory_space<vmem>>)
      %add3A_104 = arith.constant 2 : i32
      %add3A_105 = arith.addi %mul3A_29, %add3A_104 : i32
      %dma_start3A_106 = arith.constant 0 : i32
      %dma_start3A_107 = tpu.memref_slice %arg8[%add3A_105, %dma_start3A_106] : memref<40x128xi32, #tpu.memory_space<vmem>> -> memref<1x128xi32, #tpu.memory_space<vmem>>
      %dma_start3A_108 = tpu.memref_squeeze %dma_start3A_107 : memref<1x128xi32, #tpu.memory_space<vmem>> -> memref<128xi32, #tpu.memory_space<vmem>>
      %dma_start3A_109 = arith.constant 0 : i32
      %dma_start3A_110 = arith.constant 0 : i32
      %dma_start3A_111 = tpu.memref_slice %arg14[%dma_start3A_109, %dma_start3A_110] : memref<16000x32xf32, #tpu.memory_space<vmem_shared>> -> memref<16000x32xf32, #tpu.memory_space<vmem_shared>>
      tpu.enqueue_indirect_dma source(%arg11 : memref<128x32xf32, #tpu.memory_space<vmem>>) target(%dma_start3A_111 : memref<16000x32xf32, #tpu.memory_space<vmem_shared>>) offsets(%dma_start3A_108 : memref<128xi32, #tpu.memory_space<vmem>>) semaphore(%arg22 : memref<!tpu.dma_semaphore, #tpu.memory_space<semaphore_mem>>) {add = true}
      %add3A_112 = arith.constant 2 : i32
      %add3A_113 = arith.addi %mul3A_29, %add3A_112 : i32
      "tpu.region"() ({
        %run_scoped3A = tpu.sem_alloc : memref<!tpu.dma_semaphore, #tpu.memory_space<semaphore_mem>>
        %dma_start3A_152 = arith.constant 0 : i32
        %dma_start3A_153 = tpu.memref_slice %arg8[%add3A_113, %dma_start3A_152] : memref<40x128xi32, #tpu.memory_space<vmem>> -> memref<1x128xi32, #tpu.memory_space<vmem>>
        %dma_start3A_154 = tpu.memref_squeeze %dma_start3A_153 : memref<1x128xi32, #tpu.memory_space<vmem>> -> memref<128xi32, #tpu.memory_space<vmem>>
        %dma_start3A_155 = arith.constant 0 : i32
        %dma_start3A_156 = arith.constant 0 : i32
        %dma_start3A_157 = tpu.memref_slice %arg15[%dma_start3A_155, %dma_start3A_156] : memref<16000x16xf32, #tpu.memory_space<vmem_shared>> -> memref<16000x16xf32, #tpu.memory_space<vmem_shared>>
        tpu.enqueue_indirect_dma source(%arg13 : memref<128x16xf32, #tpu.memory_space<vmem>>) target(%dma_start3A_157 : memref<16000x16xf32, #tpu.memory_space<vmem_shared>>) offsets(%dma_start3A_154 : memref<128xi32, #tpu.memory_space<vmem>>) semaphore(%run_scoped3A : memref<!tpu.dma_semaphore, #tpu.memory_space<semaphore_mem>>) {add = true}
        %dma_wait3A_158 = arith.constant 0 : i32
        %dma_wait3A_159 = tpu.memref_slice %arg8[%add3A_113, %dma_wait3A_158] : memref<40x128xi32, #tpu.memory_space<vmem>> -> memref<1x128xi32, #tpu.memory_space<vmem>>
        %dma_wait3A_160 = tpu.memref_squeeze %dma_wait3A_159 : memref<1x128xi32, #tpu.memory_space<vmem>> -> memref<128xi32, #tpu.memory_space<vmem>>
        %dma_wait3A_161 = arith.constant 0 : i32
        %dma_wait3A_162 = arith.constant 0 : i32
        %dma_wait3A_163 = tpu.memref_slice %arg15[%dma_wait3A_161, %dma_wait3A_162] : memref<16000x16xf32, #tpu.memory_space<vmem_shared>> -> memref<16000x16xf32, #tpu.memory_space<vmem_shared>>
        tpu.wait_indirect_dma semaphore(%run_scoped3A : memref<!tpu.dma_semaphore, #tpu.memory_space<semaphore_mem>>) src(%arg13 : memref<128x16xf32, #tpu.memory_space<vmem>>) dst(%dma_wait3A_163 : memref<16000x16xf32, #tpu.memory_space<vmem_shared>>)
        tpu.yield
      }) : () -> ()
      %dma_wait3A_114 = arith.constant 0 : i32
      %dma_wait3A_115 = tpu.memref_slice %arg2[%mul3A_68, %dma_wait3A_114] : memref<163840x32xf32, #tpu.memory_space<hbm>> -> memref<128x32xf32, #tpu.memory_space<hbm>>
      %dma_wait3A_116 = arith.constant 0 : i32
      %dma_wait3A_117 = tpu.memref_slice %arg2[%mul3A_68, %dma_wait3A_116] : memref<163840x32xf32, #tpu.memory_space<hbm>> -> memref<128x32xf32, #tpu.memory_space<hbm>>
      tpu.wait_dma2 semaphore(%arg19 : memref<!tpu.dma_semaphore, #tpu.memory_space<semaphore_mem>>) src(%dma_wait3A_117 : memref<128x32xf32, #tpu.memory_space<hbm>>) dst(%arg12 : memref<128x32xf32, #tpu.memory_space<vmem>>)
      %add3A_118 = arith.constant 3 : i32
      %add3A_119 = arith.addi %mul3A_29, %add3A_118 : i32
      %dma_start3A_120 = arith.constant 0 : i32
      %dma_start3A_121 = tpu.memref_slice %arg8[%add3A_119, %dma_start3A_120] : memref<40x128xi32, #tpu.memory_space<vmem>> -> memref<1x128xi32, #tpu.memory_space<vmem>>
      %dma_start3A_122 = tpu.memref_squeeze %dma_start3A_121 : memref<1x128xi32, #tpu.memory_space<vmem>> -> memref<128xi32, #tpu.memory_space<vmem>>
      %dma_start3A_123 = arith.constant 0 : i32
      %dma_start3A_124 = arith.constant 0 : i32
      %dma_start3A_125 = tpu.memref_slice %arg14[%dma_start3A_123, %dma_start3A_124] : memref<16000x32xf32, #tpu.memory_space<vmem_shared>> -> memref<16000x32xf32, #tpu.memory_space<vmem_shared>>
      tpu.enqueue_indirect_dma source(%arg12 : memref<128x32xf32, #tpu.memory_space<vmem>>) target(%dma_start3A_125 : memref<16000x32xf32, #tpu.memory_space<vmem_shared>>) offsets(%dma_start3A_122 : memref<128xi32, #tpu.memory_space<vmem>>) semaphore(%arg23 : memref<!tpu.dma_semaphore, #tpu.memory_space<semaphore_mem>>) {add = true}
      %add3A_126 = arith.constant 3 : i32
      %add3A_127 = arith.addi %mul3A_29, %add3A_126 : i32
      "tpu.region"() ({
        %run_scoped3A = tpu.sem_alloc : memref<!tpu.dma_semaphore, #tpu.memory_space<semaphore_mem>>
        %dma_start3A_152 = arith.constant 0 : i32
        %dma_start3A_153 = tpu.memref_slice %arg8[%add3A_127, %dma_start3A_152] : memref<40x128xi32, #tpu.memory_space<vmem>> -> memref<1x128xi32, #tpu.memory_space<vmem>>
        %dma_start3A_154 = tpu.memref_squeeze %dma_start3A_153 : memref<1x128xi32, #tpu.memory_space<vmem>> -> memref<128xi32, #tpu.memory_space<vmem>>
        %dma_start3A_155 = arith.constant 0 : i32
        %dma_start3A_156 = arith.constant 0 : i32
        %dma_start3A_157 = tpu.memref_slice %arg15[%dma_start3A_155, %dma_start3A_156] : memref<16000x16xf32, #tpu.memory_space<vmem_shared>> -> memref<16000x16xf32, #tpu.memory_space<vmem_shared>>
        tpu.enqueue_indirect_dma source(%arg13 : memref<128x16xf32, #tpu.memory_space<vmem>>) target(%dma_start3A_157 : memref<16000x16xf32, #tpu.memory_space<vmem_shared>>) offsets(%dma_start3A_154 : memref<128xi32, #tpu.memory_space<vmem>>) semaphore(%run_scoped3A : memref<!tpu.dma_semaphore, #tpu.memory_space<semaphore_mem>>) {add = true}
        %dma_wait3A_158 = arith.constant 0 : i32
        %dma_wait3A_159 = tpu.memref_slice %arg8[%add3A_127, %dma_wait3A_158] : memref<40x128xi32, #tpu.memory_space<vmem>> -> memref<1x128xi32, #tpu.memory_space<vmem>>
        %dma_wait3A_160 = tpu.memref_squeeze %dma_wait3A_159 : memref<1x128xi32, #tpu.memory_space<vmem>> -> memref<128xi32, #tpu.memory_space<vmem>>
        %dma_wait3A_161 = arith.constant 0 : i32
        %dma_wait3A_162 = arith.constant 0 : i32
        %dma_wait3A_163 = tpu.memref_slice %arg15[%dma_wait3A_161, %dma_wait3A_162] : memref<16000x16xf32, #tpu.memory_space<vmem_shared>> -> memref<16000x16xf32, #tpu.memory_space<vmem_shared>>
        tpu.wait_indirect_dma semaphore(%run_scoped3A : memref<!tpu.dma_semaphore, #tpu.memory_space<semaphore_mem>>) src(%arg13 : memref<128x16xf32, #tpu.memory_space<vmem>>) dst(%dma_wait3A_163 : memref<16000x16xf32, #tpu.memory_space<vmem_shared>>)
        tpu.yield
      }) : () -> ()
      %dma_wait3A_128 = arith.constant 0 : i32
      %dma_wait3A_129 = tpu.memref_slice %arg8[%add3A_77, %dma_wait3A_128] : memref<40x128xi32, #tpu.memory_space<vmem>> -> memref<1x128xi32, #tpu.memory_space<vmem>>
      %dma_wait3A_130 = tpu.memref_squeeze %dma_wait3A_129 : memref<1x128xi32, #tpu.memory_space<vmem>> -> memref<128xi32, #tpu.memory_space<vmem>>
      %dma_wait3A_131 = arith.constant 0 : i32
      %dma_wait3A_132 = arith.constant 0 : i32
      %dma_wait3A_133 = tpu.memref_slice %arg14[%dma_wait3A_131, %dma_wait3A_132] : memref<16000x32xf32, #tpu.memory_space<vmem_shared>> -> memref<16000x32xf32, #tpu.memory_space<vmem_shared>>
      tpu.wait_indirect_dma semaphore(%arg20 : memref<!tpu.dma_semaphore, #tpu.memory_space<semaphore_mem>>) src(%arg9 : memref<128x32xf32, #tpu.memory_space<vmem>>) dst(%dma_wait3A_133 : memref<16000x32xf32, #tpu.memory_space<vmem_shared>>)
      %dma_wait3A_134 = arith.constant 0 : i32
      %dma_wait3A_135 = tpu.memref_slice %arg8[%add3A_91, %dma_wait3A_134] : memref<40x128xi32, #tpu.memory_space<vmem>> -> memref<1x128xi32, #tpu.memory_space<vmem>>
      %dma_wait3A_136 = tpu.memref_squeeze %dma_wait3A_135 : memref<1x128xi32, #tpu.memory_space<vmem>> -> memref<128xi32, #tpu.memory_space<vmem>>
      %dma_wait3A_137 = arith.constant 0 : i32
      %dma_wait3A_138 = arith.constant 0 : i32
      %dma_wait3A_139 = tpu.memref_slice %arg14[%dma_wait3A_137, %dma_wait3A_138] : memref<16000x32xf32, #tpu.memory_space<vmem_shared>> -> memref<16000x32xf32, #tpu.memory_space<vmem_shared>>
      tpu.wait_indirect_dma semaphore(%arg21 : memref<!tpu.dma_semaphore, #tpu.memory_space<semaphore_mem>>) src(%arg10 : memref<128x32xf32, #tpu.memory_space<vmem>>) dst(%dma_wait3A_139 : memref<16000x32xf32, #tpu.memory_space<vmem_shared>>)
      %dma_wait3A_140 = arith.constant 0 : i32
      %dma_wait3A_141 = tpu.memref_slice %arg8[%add3A_105, %dma_wait3A_140] : memref<40x128xi32, #tpu.memory_space<vmem>> -> memref<1x128xi32, #tpu.memory_space<vmem>>
      %dma_wait3A_142 = tpu.memref_squeeze %dma_wait3A_141 : memref<1x128xi32, #tpu.memory_space<vmem>> -> memref<128xi32, #tpu.memory_space<vmem>>
      %dma_wait3A_143 = arith.constant 0 : i32
      %dma_wait3A_144 = arith.constant 0 : i32
      %dma_wait3A_145 = tpu.memref_slice %arg14[%dma_wait3A_143, %dma_wait3A_144] : memref<16000x32xf32, #tpu.memory_space<vmem_shared>> -> memref<16000x32xf32, #tpu.memory_space<vmem_shared>>
      tpu.wait_indirect_dma semaphore(%arg22 : memref<!tpu.dma_semaphore, #tpu.memory_space<semaphore_mem>>) src(%arg11 : memref<128x32xf32, #tpu.memory_space<vmem>>) dst(%dma_wait3A_145 : memref<16000x32xf32, #tpu.memory_space<vmem_shared>>)
      %dma_wait3A_146 = arith.constant 0 : i32
      %dma_wait3A_147 = tpu.memref_slice %arg8[%add3A_119, %dma_wait3A_146] : memref<40x128xi32, #tpu.memory_space<vmem>> -> memref<1x128xi32, #tpu.memory_space<vmem>>
      %dma_wait3A_148 = tpu.memref_squeeze %dma_wait3A_147 : memref<1x128xi32, #tpu.memory_space<vmem>> -> memref<128xi32, #tpu.memory_space<vmem>>
      %dma_wait3A_149 = arith.constant 0 : i32
      %dma_wait3A_150 = arith.constant 0 : i32
      %dma_wait3A_151 = tpu.memref_slice %arg14[%dma_wait3A_149, %dma_wait3A_150] : memref<16000x32xf32, #tpu.memory_space<vmem_shared>> -> memref<16000x32xf32, #tpu.memory_space<vmem_shared>>
      tpu.wait_indirect_dma semaphore(%arg23 : memref<!tpu.dma_semaphore, #tpu.memory_space<semaphore_mem>>) src(%arg12 : memref<128x32xf32, #tpu.memory_space<vmem>>) dst(%dma_wait3A_151 : memref<16000x32xf32, #tpu.memory_space<vmem_shared>>)
    }
    %scan3A_16 = arith.constant 10 : i32
    %barrier3A_17 = arith.constant 0 : index
    tpu.barrier barrier_id(%barrier3A_17)
    %mul3A_18 = arith.constant 16000 : i32
    %mul3A_19 = arith.muli %arg0, %mul3A_18 : i32
    %mul3A_20 = arith.constant 1000 : i32
    %mul3A_21 = arith.muli %arg1, %mul3A_20 : i32
    %add3A_22 = arith.addi %mul3A_19, %mul3A_21 : i32
    %mul3A_23 = arith.constant 1000 : i32
    %mul3A_24 = arith.muli %arg1, %mul3A_23 : i32
    "tpu.region"() ({
      %run_scoped3A = tpu.sem_alloc : memref<!tpu.dma_semaphore, #tpu.memory_space<semaphore_mem>>
      %dma_start3A = arith.constant 0 : i32
      %dma_start3A_27 = tpu.memref_slice %arg6[%add3A_22, %dma_start3A] : memref<32000x32xf32, #tpu.memory_space<hbm>> -> memref<1000x32xf32, #tpu.memory_space<hbm>>
      %dma_start3A_28 = arith.constant 0 : i32
      %dma_start3A_29 = tpu.memref_slice %arg14[%mul3A_24, %dma_start3A_28] : memref<16000x32xf32, #tpu.memory_space<vmem_shared>> -> memref<1000x32xf32, #tpu.memory_space<vmem_shared>>
      tpu.enqueue_dma source(%dma_start3A_29 : memref<1000x32xf32, #tpu.memory_space<vmem_shared>>) target(%dma_start3A_27 : memref<1000x32xf32, #tpu.memory_space<hbm>>) target_semaphore(%run_scoped3A : memref<!tpu.dma_semaphore, #tpu.memory_space<semaphore_mem>>)
      %dma_wait3A = arith.constant 0 : i32
      %dma_wait3A_30 = tpu.memref_slice %arg6[%add3A_22, %dma_wait3A] : memref<32000x32xf32, #tpu.memory_space<hbm>> -> memref<1000x32xf32, #tpu.memory_space<hbm>>
      %dma_wait3A_31 = arith.constant 0 : i32
      %dma_wait3A_32 = tpu.memref_slice %arg14[%mul3A_24, %dma_wait3A_31] : memref<16000x32xf32, #tpu.memory_space<vmem_shared>> -> memref<1000x32xf32, #tpu.memory_space<vmem_shared>>
      tpu.wait_dma2 semaphore(%run_scoped3A : memref<!tpu.dma_semaphore, #tpu.memory_space<semaphore_mem>>) src(%dma_wait3A_32 : memref<1000x32xf32, #tpu.memory_space<vmem_shared>>) dst(%dma_wait3A_30 : memref<1000x32xf32, #tpu.memory_space<hbm>>)
      tpu.yield
    }) : () -> ()
    %mul3A_25 = arith.constant 1000 : i32
    %mul3A_26 = arith.muli %arg1, %mul3A_25 : i32
    "tpu.region"() ({
      %run_scoped3A = tpu.sem_alloc : memref<!tpu.dma_semaphore, #tpu.memory_space<semaphore_mem>>
      %dma_start3A = arith.constant 0 : i32
      %dma_start3A_27 = tpu.memref_slice %arg7[%add3A_22, %dma_start3A] : memref<32000x16xf32, #tpu.memory_space<hbm>> -> memref<1000x16xf32, #tpu.memory_space<hbm>>
      %dma_start3A_28 = arith.constant 0 : i32
      %dma_start3A_29 = tpu.memref_slice %arg15[%mul3A_26, %dma_start3A_28] : memref<16000x16xf32, #tpu.memory_space<vmem_shared>> -> memref<1000x16xf32, #tpu.memory_space<vmem_shared>>
      tpu.enqueue_dma source(%dma_start3A_29 : memref<1000x16xf32, #tpu.memory_space<vmem_shared>>) target(%dma_start3A_27 : memref<1000x16xf32, #tpu.memory_space<hbm>>) target_semaphore(%run_scoped3A : memref<!tpu.dma_semaphore, #tpu.memory_space<semaphore_mem>>)
      %dma_wait3A = arith.constant 0 : i32
      %dma_wait3A_30 = tpu.memref_slice %arg7[%add3A_22, %dma_wait3A] : memref<32000x16xf32, #tpu.memory_space<hbm>> -> memref<1000x16xf32, #tpu.memory_space<hbm>>
      %dma_wait3A_31 = arith.constant 0 : i32
      %dma_wait3A_32 = tpu.memref_slice %arg15[%mul3A_26, %dma_wait3A_31] : memref<16000x16xf32, #tpu.memory_space<vmem_shared>> -> memref<1000x16xf32, #tpu.memory_space<vmem_shared>>
      tpu.wait_dma2 semaphore(%run_scoped3A : memref<!tpu.dma_semaphore, #tpu.memory_space<semaphore_mem>>) src(%dma_wait3A_32 : memref<1000x16xf32, #tpu.memory_space<vmem_shared>>) dst(%dma_wait3A_30 : memref<1000x16xf32, #tpu.memory_space<hbm>>)
      tpu.yield
    }) : () -> ()
    return
  }
}

module attributes {stable_mosaic.version = 14 : i64} {
  func.func @_msg_body(%arg0: i32, %arg1: memref<1280x16xf32, #tpu.memory_space<vmem>>, %arg2: memref<1280x32xbf16, #tpu.memory_space<vmem>>, %arg3: memref<32x16xf32, #tpu.memory_space<vmem>>, %arg4: memref<32x1xf32, #tpu.memory_space<vmem>>, %arg5: memref<32x1056xbf16, #tpu.memory_space<vmem>>, %arg6: memref<1280x32xf32, #tpu.memory_space<vmem>>, %arg7: memref<1056x1280xbf16, #tpu.memory_space<vmem>>) attributes {dimension_semantics = [#tpu.dimension_semantics<arbitrary>], iteration_bounds = array<i64: 125>, scalar_prefetch = 0 : i64, scratch_operands = 1 : i64, tpu.core_type = #tpu.core_type<tc>, window_params = [{transform_indices = @transform_0, window_bounds = array<i64: 1280, 16>}, {transform_indices = @transform_1, window_bounds = array<i64: 1280, 32>}, {pipeline_mode = #tpu.pipeline_mode<synchronous>, transform_indices = @transform_2, window_bounds = array<i64: 32, 16>}, {pipeline_mode = #tpu.pipeline_mode<synchronous>, transform_indices = @transform_3, window_bounds = array<i64: 32, 1>}, {pipeline_mode = #tpu.pipeline_mode<synchronous>, transform_indices = @transform_4, window_bounds = array<i64: 32, 1056>}, {transform_indices = @transform_5, window_bounds = array<i64: 1280, 32>}]} {
    %get3A = arith.constant 0 : index
    %get3A_0 = arith.constant 0 : index
    %get3A_1 = vector.load %arg1[%get3A, %get3A_0] : memref<1280x16xf32, #tpu.memory_space<vmem>>, vector<1280x16xf32>
    %transpose3A = tpu.transpose %get3A_1, [1, 0] : vector<1280x16xf32> -> vector<16x1280xf32>
    %get3A_2 = arith.constant 0 : index
    %get3A_3 = arith.constant 0 : index
    %get3A_4 = vector.load %arg3[%get3A_2, %get3A_3] : memref<32x16xf32, #tpu.memory_space<vmem>>, vector<32x16xf32>
    %dot_general3A = arith.constant dense<0.000000e+00> : vector<32x1280xf32>
    %dot_general3A_5 = tpu.matmul %get3A_4, %transpose3A, %dot_general3A {dimension_numbers = #tpu.dot_dimension_numbers<[1], [0], [0], [1], [0, 0, 1, 1], [], []>, transpose_lhs_hint = false} : vector<32x16xf32>, vector<16x1280xf32>, vector<32x1280xf32> -> vector<32x1280xf32>
    %get3A_6 = arith.constant 0 : index
    %get3A_7 = arith.constant 0 : index
    %get3A_8 = vector.load %arg4[%get3A_6, %get3A_7] : memref<32x1xf32, #tpu.memory_space<vmem>>, vector<32x1xf32>
    %add3A = vector.broadcast %get3A_8 : vector<32x1xf32> to vector<32x1280xf32>
    %add3A_9 = arith.addf %dot_general3A_5, %add3A : vector<32x1280xf32>
    %max3A = arith.constant 0.000000e+00 : f32
    %max3A_10 = vector.broadcast %max3A : f32 to vector<32x1280xf32>
    %max3A_11 = arith.maximumf %add3A_9, %max3A_10 : vector<32x1280xf32>
    %get3A_12 = arith.constant 0 : index
    %get3A_13 = arith.constant 0 : index
    %get3A_14 = vector.load %arg2[%get3A_12, %get3A_13] : memref<1280x32xbf16, #tpu.memory_space<vmem>>, vector<1280x32xbf16>
    %convert_element_type3A = arith.extf %get3A_14 : vector<1280x32xbf16> to vector<1280x32xf32>
    %transpose3A_15 = tpu.transpose %convert_element_type3A, [1, 0] : vector<1280x32xf32> -> vector<32x1280xf32>
    %slice3A = vector.extract_strided_slice %max3A_11 {offsets = [0, 0], sizes = [1, 1280], strides = [1, 1]} : vector<32x1280xf32> to vector<1x1280xf32>
    %mul3A = vector.broadcast %slice3A : vector<1x1280xf32> to vector<32x1280xf32>
    %mul3A_16 = arith.mulf %transpose3A_15, %mul3A : vector<32x1280xf32>
    %convert_element_type3A_17 = arith.truncf %mul3A_16 : vector<32x1280xf32> to vector<32x1280xbf16>
    %swap3A = arith.constant 0 : index
    %swap3A_18 = arith.constant 0 : index
    %swap3A_19 = vector.load %arg7[%swap3A, %swap3A_18] : memref<1056x1280xbf16, #tpu.memory_space<vmem>>, vector<32x1280xbf16>
    tpu.vector_store %arg7[%swap3A, %swap3A_18], %convert_element_type3A_17 {strides = array<i32>} : memref<1056x1280xbf16, #tpu.memory_space<vmem>>, vector<32x1280xbf16>,
    %slice3A_20 = vector.extract_strided_slice %max3A_11 {offsets = [1, 0], sizes = [1, 1280], strides = [1, 1]} : vector<32x1280xf32> to vector<1x1280xf32>
    %mul3A_21 = vector.broadcast %slice3A_20 : vector<1x1280xf32> to vector<32x1280xf32>
    %mul3A_22 = arith.mulf %transpose3A_15, %mul3A_21 : vector<32x1280xf32>
    %convert_element_type3A_23 = arith.truncf %mul3A_22 : vector<32x1280xf32> to vector<32x1280xbf16>
    %swap3A_24 = arith.constant 32 : index
    %swap3A_25 = arith.constant 0 : index
    %swap3A_26 = vector.load %arg7[%swap3A_24, %swap3A_25] : memref<1056x1280xbf16, #tpu.memory_space<vmem>>, vector<32x1280xbf16>
    tpu.vector_store %arg7[%swap3A_24, %swap3A_25], %convert_element_type3A_23 {strides = array<i32>} : memref<1056x1280xbf16, #tpu.memory_space<vmem>>, vector<32x1280xbf16>,
    %slice3A_27 = vector.extract_strided_slice %max3A_11 {offsets = [2, 0], sizes = [1, 1280], strides = [1, 1]} : vector<32x1280xf32> to vector<1x1280xf32>
    %mul3A_28 = vector.broadcast %slice3A_27 : vector<1x1280xf32> to vector<32x1280xf32>
    %mul3A_29 = arith.mulf %transpose3A_15, %mul3A_28 : vector<32x1280xf32>
    %convert_element_type3A_30 = arith.truncf %mul3A_29 : vector<32x1280xf32> to vector<32x1280xbf16>
    %swap3A_31 = arith.constant 64 : index
    %swap3A_32 = arith.constant 0 : index
    %swap3A_33 = vector.load %arg7[%swap3A_31, %swap3A_32] : memref<1056x1280xbf16, #tpu.memory_space<vmem>>, vector<32x1280xbf16>
    tpu.vector_store %arg7[%swap3A_31, %swap3A_32], %convert_element_type3A_30 {strides = array<i32>} : memref<1056x1280xbf16, #tpu.memory_space<vmem>>, vector<32x1280xbf16>,
    %slice3A_34 = vector.extract_strided_slice %max3A_11 {offsets = [3, 0], sizes = [1, 1280], strides = [1, 1]} : vector<32x1280xf32> to vector<1x1280xf32>
    %mul3A_35 = vector.broadcast %slice3A_34 : vector<1x1280xf32> to vector<32x1280xf32>
    %mul3A_36 = arith.mulf %transpose3A_15, %mul3A_35 : vector<32x1280xf32>
    %convert_element_type3A_37 = arith.truncf %mul3A_36 : vector<32x1280xf32> to vector<32x1280xbf16>
    %swap3A_38 = arith.constant 96 : index
    %swap3A_39 = arith.constant 0 : index
    %swap3A_40 = vector.load %arg7[%swap3A_38, %swap3A_39] : memref<1056x1280xbf16, #tpu.memory_space<vmem>>, vector<32x1280xbf16>
    tpu.vector_store %arg7[%swap3A_38, %swap3A_39], %convert_element_type3A_37 {strides = array<i32>} : memref<1056x1280xbf16, #tpu.memory_space<vmem>>, vector<32x1280xbf16>,
    %slice3A_41 = vector.extract_strided_slice %max3A_11 {offsets = [4, 0], sizes = [1, 1280], strides = [1, 1]} : vector<32x1280xf32> to vector<1x1280xf32>
    %mul3A_42 = vector.broadcast %slice3A_41 : vector<1x1280xf32> to vector<32x1280xf32>
    %mul3A_43 = arith.mulf %transpose3A_15, %mul3A_42 : vector<32x1280xf32>
    %convert_element_type3A_44 = arith.truncf %mul3A_43 : vector<32x1280xf32> to vector<32x1280xbf16>
    %swap3A_45 = arith.constant 128 : index
    %swap3A_46 = arith.constant 0 : index
    %swap3A_47 = vector.load %arg7[%swap3A_45, %swap3A_46] : memref<1056x1280xbf16, #tpu.memory_space<vmem>>, vector<32x1280xbf16>
    tpu.vector_store %arg7[%swap3A_45, %swap3A_46], %convert_element_type3A_44 {strides = array<i32>} : memref<1056x1280xbf16, #tpu.memory_space<vmem>>, vector<32x1280xbf16>,
    %slice3A_48 = vector.extract_strided_slice %max3A_11 {offsets = [5, 0], sizes = [1, 1280], strides = [1, 1]} : vector<32x1280xf32> to vector<1x1280xf32>
    %mul3A_49 = vector.broadcast %slice3A_48 : vector<1x1280xf32> to vector<32x1280xf32>
    %mul3A_50 = arith.mulf %transpose3A_15, %mul3A_49 : vector<32x1280xf32>
    %convert_element_type3A_51 = arith.truncf %mul3A_50 : vector<32x1280xf32> to vector<32x1280xbf16>
    %swap3A_52 = arith.constant 160 : index
    %swap3A_53 = arith.constant 0 : index
    %swap3A_54 = vector.load %arg7[%swap3A_52, %swap3A_53] : memref<1056x1280xbf16, #tpu.memory_space<vmem>>, vector<32x1280xbf16>
    tpu.vector_store %arg7[%swap3A_52, %swap3A_53], %convert_element_type3A_51 {strides = array<i32>} : memref<1056x1280xbf16, #tpu.memory_space<vmem>>, vector<32x1280xbf16>,
    %slice3A_55 = vector.extract_strided_slice %max3A_11 {offsets = [6, 0], sizes = [1, 1280], strides = [1, 1]} : vector<32x1280xf32> to vector<1x1280xf32>
    %mul3A_56 = vector.broadcast %slice3A_55 : vector<1x1280xf32> to vector<32x1280xf32>
    %mul3A_57 = arith.mulf %transpose3A_15, %mul3A_56 : vector<32x1280xf32>
    %convert_element_type3A_58 = arith.truncf %mul3A_57 : vector<32x1280xf32> to vector<32x1280xbf16>
    %swap3A_59 = arith.constant 192 : index
    %swap3A_60 = arith.constant 0 : index
    %swap3A_61 = vector.load %arg7[%swap3A_59, %swap3A_60] : memref<1056x1280xbf16, #tpu.memory_space<vmem>>, vector<32x1280xbf16>
    tpu.vector_store %arg7[%swap3A_59, %swap3A_60], %convert_element_type3A_58 {strides = array<i32>} : memref<1056x1280xbf16, #tpu.memory_space<vmem>>, vector<32x1280xbf16>,
    %slice3A_62 = vector.extract_strided_slice %max3A_11 {offsets = [7, 0], sizes = [1, 1280], strides = [1, 1]} : vector<32x1280xf32> to vector<1x1280xf32>
    %mul3A_63 = vector.broadcast %slice3A_62 : vector<1x1280xf32> to vector<32x1280xf32>
    %mul3A_64 = arith.mulf %transpose3A_15, %mul3A_63 : vector<32x1280xf32>
    %convert_element_type3A_65 = arith.truncf %mul3A_64 : vector<32x1280xf32> to vector<32x1280xbf16>
    %swap3A_66 = arith.constant 224 : index
    %swap3A_67 = arith.constant 0 : index
    %swap3A_68 = vector.load %arg7[%swap3A_66, %swap3A_67] : memref<1056x1280xbf16, #tpu.memory_space<vmem>>, vector<32x1280xbf16>
    tpu.vector_store %arg7[%swap3A_66, %swap3A_67], %convert_element_type3A_65 {strides = array<i32>} : memref<1056x1280xbf16, #tpu.memory_space<vmem>>, vector<32x1280xbf16>,
    %slice3A_69 = vector.extract_strided_slice %max3A_11 {offsets = [8, 0], sizes = [1, 1280], strides = [1, 1]} : vector<32x1280xf32> to vector<1x1280xf32>
    %mul3A_70 = vector.broadcast %slice3A_69 : vector<1x1280xf32> to vector<32x1280xf32>
    %mul3A_71 = arith.mulf %transpose3A_15, %mul3A_70 : vector<32x1280xf32>
    %convert_element_type3A_72 = arith.truncf %mul3A_71 : vector<32x1280xf32> to vector<32x1280xbf16>
    %swap3A_73 = arith.constant 256 : index
    %swap3A_74 = arith.constant 0 : index
    %swap3A_75 = vector.load %arg7[%swap3A_73, %swap3A_74] : memref<1056x1280xbf16, #tpu.memory_space<vmem>>, vector<32x1280xbf16>
    tpu.vector_store %arg7[%swap3A_73, %swap3A_74], %convert_element_type3A_72 {strides = array<i32>} : memref<1056x1280xbf16, #tpu.memory_space<vmem>>, vector<32x1280xbf16>,
    %slice3A_76 = vector.extract_strided_slice %max3A_11 {offsets = [9, 0], sizes = [1, 1280], strides = [1, 1]} : vector<32x1280xf32> to vector<1x1280xf32>
    %mul3A_77 = vector.broadcast %slice3A_76 : vector<1x1280xf32> to vector<32x1280xf32>
    %mul3A_78 = arith.mulf %transpose3A_15, %mul3A_77 : vector<32x1280xf32>
    %convert_element_type3A_79 = arith.truncf %mul3A_78 : vector<32x1280xf32> to vector<32x1280xbf16>
    %swap3A_80 = arith.constant 288 : index
    %swap3A_81 = arith.constant 0 : index
    %swap3A_82 = vector.load %arg7[%swap3A_80, %swap3A_81] : memref<1056x1280xbf16, #tpu.memory_space<vmem>>, vector<32x1280xbf16>
    tpu.vector_store %arg7[%swap3A_80, %swap3A_81], %convert_element_type3A_79 {strides = array<i32>} : memref<1056x1280xbf16, #tpu.memory_space<vmem>>, vector<32x1280xbf16>,
    %slice3A_83 = vector.extract_strided_slice %max3A_11 {offsets = [10, 0], sizes = [1, 1280], strides = [1, 1]} : vector<32x1280xf32> to vector<1x1280xf32>
    %mul3A_84 = vector.broadcast %slice3A_83 : vector<1x1280xf32> to vector<32x1280xf32>
    %mul3A_85 = arith.mulf %transpose3A_15, %mul3A_84 : vector<32x1280xf32>
    %convert_element_type3A_86 = arith.truncf %mul3A_85 : vector<32x1280xf32> to vector<32x1280xbf16>
    %swap3A_87 = arith.constant 320 : index
    %swap3A_88 = arith.constant 0 : index
    %swap3A_89 = vector.load %arg7[%swap3A_87, %swap3A_88] : memref<1056x1280xbf16, #tpu.memory_space<vmem>>, vector<32x1280xbf16>
    tpu.vector_store %arg7[%swap3A_87, %swap3A_88], %convert_element_type3A_86 {strides = array<i32>} : memref<1056x1280xbf16, #tpu.memory_space<vmem>>, vector<32x1280xbf16>,
    %slice3A_90 = vector.extract_strided_slice %max3A_11 {offsets = [11, 0], sizes = [1, 1280], strides = [1, 1]} : vector<32x1280xf32> to vector<1x1280xf32>
    %mul3A_91 = vector.broadcast %slice3A_90 : vector<1x1280xf32> to vector<32x1280xf32>
    %mul3A_92 = arith.mulf %transpose3A_15, %mul3A_91 : vector<32x1280xf32>
    %convert_element_type3A_93 = arith.truncf %mul3A_92 : vector<32x1280xf32> to vector<32x1280xbf16>
    %swap3A_94 = arith.constant 352 : index
    %swap3A_95 = arith.constant 0 : index
    %swap3A_96 = vector.load %arg7[%swap3A_94, %swap3A_95] : memref<1056x1280xbf16, #tpu.memory_space<vmem>>, vector<32x1280xbf16>
    tpu.vector_store %arg7[%swap3A_94, %swap3A_95], %convert_element_type3A_93 {strides = array<i32>} : memref<1056x1280xbf16, #tpu.memory_space<vmem>>, vector<32x1280xbf16>,
    %slice3A_97 = vector.extract_strided_slice %max3A_11 {offsets = [12, 0], sizes = [1, 1280], strides = [1, 1]} : vector<32x1280xf32> to vector<1x1280xf32>
    %mul3A_98 = vector.broadcast %slice3A_97 : vector<1x1280xf32> to vector<32x1280xf32>
    %mul3A_99 = arith.mulf %transpose3A_15, %mul3A_98 : vector<32x1280xf32>
    %convert_element_type3A_100 = arith.truncf %mul3A_99 : vector<32x1280xf32> to vector<32x1280xbf16>
    %swap3A_101 = arith.constant 384 : index
    %swap3A_102 = arith.constant 0 : index
    %swap3A_103 = vector.load %arg7[%swap3A_101, %swap3A_102] : memref<1056x1280xbf16, #tpu.memory_space<vmem>>, vector<32x1280xbf16>
    tpu.vector_store %arg7[%swap3A_101, %swap3A_102], %convert_element_type3A_100 {strides = array<i32>} : memref<1056x1280xbf16, #tpu.memory_space<vmem>>, vector<32x1280xbf16>,
    %slice3A_104 = vector.extract_strided_slice %max3A_11 {offsets = [13, 0], sizes = [1, 1280], strides = [1, 1]} : vector<32x1280xf32> to vector<1x1280xf32>
    %mul3A_105 = vector.broadcast %slice3A_104 : vector<1x1280xf32> to vector<32x1280xf32>
    %mul3A_106 = arith.mulf %transpose3A_15, %mul3A_105 : vector<32x1280xf32>
    %convert_element_type3A_107 = arith.truncf %mul3A_106 : vector<32x1280xf32> to vector<32x1280xbf16>
    %swap3A_108 = arith.constant 416 : index
    %swap3A_109 = arith.constant 0 : index
    %swap3A_110 = vector.load %arg7[%swap3A_108, %swap3A_109] : memref<1056x1280xbf16, #tpu.memory_space<vmem>>, vector<32x1280xbf16>
    tpu.vector_store %arg7[%swap3A_108, %swap3A_109], %convert_element_type3A_107 {strides = array<i32>} : memref<1056x1280xbf16, #tpu.memory_space<vmem>>, vector<32x1280xbf16>,
    %slice3A_111 = vector.extract_strided_slice %max3A_11 {offsets = [14, 0], sizes = [1, 1280], strides = [1, 1]} : vector<32x1280xf32> to vector<1x1280xf32>
    %mul3A_112 = vector.broadcast %slice3A_111 : vector<1x1280xf32> to vector<32x1280xf32>
    %mul3A_113 = arith.mulf %transpose3A_15, %mul3A_112 : vector<32x1280xf32>
    %convert_element_type3A_114 = arith.truncf %mul3A_113 : vector<32x1280xf32> to vector<32x1280xbf16>
    %swap3A_115 = arith.constant 448 : index
    %swap3A_116 = arith.constant 0 : index
    %swap3A_117 = vector.load %arg7[%swap3A_115, %swap3A_116] : memref<1056x1280xbf16, #tpu.memory_space<vmem>>, vector<32x1280xbf16>
    tpu.vector_store %arg7[%swap3A_115, %swap3A_116], %convert_element_type3A_114 {strides = array<i32>} : memref<1056x1280xbf16, #tpu.memory_space<vmem>>, vector<32x1280xbf16>,
    %slice3A_118 = vector.extract_strided_slice %max3A_11 {offsets = [15, 0], sizes = [1, 1280], strides = [1, 1]} : vector<32x1280xf32> to vector<1x1280xf32>
    %mul3A_119 = vector.broadcast %slice3A_118 : vector<1x1280xf32> to vector<32x1280xf32>
    %mul3A_120 = arith.mulf %transpose3A_15, %mul3A_119 : vector<32x1280xf32>
    %convert_element_type3A_121 = arith.truncf %mul3A_120 : vector<32x1280xf32> to vector<32x1280xbf16>
    %swap3A_122 = arith.constant 480 : index
    %swap3A_123 = arith.constant 0 : index
    %swap3A_124 = vector.load %arg7[%swap3A_122, %swap3A_123] : memref<1056x1280xbf16, #tpu.memory_space<vmem>>, vector<32x1280xbf16>
    tpu.vector_store %arg7[%swap3A_122, %swap3A_123], %convert_element_type3A_121 {strides = array<i32>} : memref<1056x1280xbf16, #tpu.memory_space<vmem>>, vector<32x1280xbf16>,
    %slice3A_125 = vector.extract_strided_slice %max3A_11 {offsets = [16, 0], sizes = [1, 1280], strides = [1, 1]} : vector<32x1280xf32> to vector<1x1280xf32>
    %mul3A_126 = vector.broadcast %slice3A_125 : vector<1x1280xf32> to vector<32x1280xf32>
    %mul3A_127 = arith.mulf %transpose3A_15, %mul3A_126 : vector<32x1280xf32>
    %convert_element_type3A_128 = arith.truncf %mul3A_127 : vector<32x1280xf32> to vector<32x1280xbf16>
    %swap3A_129 = arith.constant 512 : index
    %swap3A_130 = arith.constant 0 : index
    %swap3A_131 = vector.load %arg7[%swap3A_129, %swap3A_130] : memref<1056x1280xbf16, #tpu.memory_space<vmem>>, vector<32x1280xbf16>
    tpu.vector_store %arg7[%swap3A_129, %swap3A_130], %convert_element_type3A_128 {strides = array<i32>} : memref<1056x1280xbf16, #tpu.memory_space<vmem>>, vector<32x1280xbf16>,
    %slice3A_132 = vector.extract_strided_slice %max3A_11 {offsets = [17, 0], sizes = [1, 1280], strides = [1, 1]} : vector<32x1280xf32> to vector<1x1280xf32>
    %mul3A_133 = vector.broadcast %slice3A_132 : vector<1x1280xf32> to vector<32x1280xf32>
    %mul3A_134 = arith.mulf %transpose3A_15, %mul3A_133 : vector<32x1280xf32>
    %convert_element_type3A_135 = arith.truncf %mul3A_134 : vector<32x1280xf32> to vector<32x1280xbf16>
    %swap3A_136 = arith.constant 544 : index
    %swap3A_137 = arith.constant 0 : index
    %swap3A_138 = vector.load %arg7[%swap3A_136, %swap3A_137] : memref<1056x1280xbf16, #tpu.memory_space<vmem>>, vector<32x1280xbf16>
    tpu.vector_store %arg7[%swap3A_136, %swap3A_137], %convert_element_type3A_135 {strides = array<i32>} : memref<1056x1280xbf16, #tpu.memory_space<vmem>>, vector<32x1280xbf16>,
    %slice3A_139 = vector.extract_strided_slice %max3A_11 {offsets = [18, 0], sizes = [1, 1280], strides = [1, 1]} : vector<32x1280xf32> to vector<1x1280xf32>
    %mul3A_140 = vector.broadcast %slice3A_139 : vector<1x1280xf32> to vector<32x1280xf32>
    %mul3A_141 = arith.mulf %transpose3A_15, %mul3A_140 : vector<32x1280xf32>
    %convert_element_type3A_142 = arith.truncf %mul3A_141 : vector<32x1280xf32> to vector<32x1280xbf16>
    %swap3A_143 = arith.constant 576 : index
    %swap3A_144 = arith.constant 0 : index
    %swap3A_145 = vector.load %arg7[%swap3A_143, %swap3A_144] : memref<1056x1280xbf16, #tpu.memory_space<vmem>>, vector<32x1280xbf16>
    tpu.vector_store %arg7[%swap3A_143, %swap3A_144], %convert_element_type3A_142 {strides = array<i32>} : memref<1056x1280xbf16, #tpu.memory_space<vmem>>, vector<32x1280xbf16>,
    %slice3A_146 = vector.extract_strided_slice %max3A_11 {offsets = [19, 0], sizes = [1, 1280], strides = [1, 1]} : vector<32x1280xf32> to vector<1x1280xf32>
    %mul3A_147 = vector.broadcast %slice3A_146 : vector<1x1280xf32> to vector<32x1280xf32>
    %mul3A_148 = arith.mulf %transpose3A_15, %mul3A_147 : vector<32x1280xf32>
    %convert_element_type3A_149 = arith.truncf %mul3A_148 : vector<32x1280xf32> to vector<32x1280xbf16>
    %swap3A_150 = arith.constant 608 : index
    %swap3A_151 = arith.constant 0 : index
    %swap3A_152 = vector.load %arg7[%swap3A_150, %swap3A_151] : memref<1056x1280xbf16, #tpu.memory_space<vmem>>, vector<32x1280xbf16>
    tpu.vector_store %arg7[%swap3A_150, %swap3A_151], %convert_element_type3A_149 {strides = array<i32>} : memref<1056x1280xbf16, #tpu.memory_space<vmem>>, vector<32x1280xbf16>,
    %slice3A_153 = vector.extract_strided_slice %max3A_11 {offsets = [20, 0], sizes = [1, 1280], strides = [1, 1]} : vector<32x1280xf32> to vector<1x1280xf32>
    %mul3A_154 = vector.broadcast %slice3A_153 : vector<1x1280xf32> to vector<32x1280xf32>
    %mul3A_155 = arith.mulf %transpose3A_15, %mul3A_154 : vector<32x1280xf32>
    %convert_element_type3A_156 = arith.truncf %mul3A_155 : vector<32x1280xf32> to vector<32x1280xbf16>
    %swap3A_157 = arith.constant 640 : index
    %swap3A_158 = arith.constant 0 : index
    %swap3A_159 = vector.load %arg7[%swap3A_157, %swap3A_158] : memref<1056x1280xbf16, #tpu.memory_space<vmem>>, vector<32x1280xbf16>
    tpu.vector_store %arg7[%swap3A_157, %swap3A_158], %convert_element_type3A_156 {strides = array<i32>} : memref<1056x1280xbf16, #tpu.memory_space<vmem>>, vector<32x1280xbf16>,
    %slice3A_160 = vector.extract_strided_slice %max3A_11 {offsets = [21, 0], sizes = [1, 1280], strides = [1, 1]} : vector<32x1280xf32> to vector<1x1280xf32>
    %mul3A_161 = vector.broadcast %slice3A_160 : vector<1x1280xf32> to vector<32x1280xf32>
    %mul3A_162 = arith.mulf %transpose3A_15, %mul3A_161 : vector<32x1280xf32>
    %convert_element_type3A_163 = arith.truncf %mul3A_162 : vector<32x1280xf32> to vector<32x1280xbf16>
    %swap3A_164 = arith.constant 672 : index
    %swap3A_165 = arith.constant 0 : index
    %swap3A_166 = vector.load %arg7[%swap3A_164, %swap3A_165] : memref<1056x1280xbf16, #tpu.memory_space<vmem>>, vector<32x1280xbf16>
    tpu.vector_store %arg7[%swap3A_164, %swap3A_165], %convert_element_type3A_163 {strides = array<i32>} : memref<1056x1280xbf16, #tpu.memory_space<vmem>>, vector<32x1280xbf16>,
    %slice3A_167 = vector.extract_strided_slice %max3A_11 {offsets = [22, 0], sizes = [1, 1280], strides = [1, 1]} : vector<32x1280xf32> to vector<1x1280xf32>
    %mul3A_168 = vector.broadcast %slice3A_167 : vector<1x1280xf32> to vector<32x1280xf32>
    %mul3A_169 = arith.mulf %transpose3A_15, %mul3A_168 : vector<32x1280xf32>
    %convert_element_type3A_170 = arith.truncf %mul3A_169 : vector<32x1280xf32> to vector<32x1280xbf16>
    %swap3A_171 = arith.constant 704 : index
    %swap3A_172 = arith.constant 0 : index
    %swap3A_173 = vector.load %arg7[%swap3A_171, %swap3A_172] : memref<1056x1280xbf16, #tpu.memory_space<vmem>>, vector<32x1280xbf16>
    tpu.vector_store %arg7[%swap3A_171, %swap3A_172], %convert_element_type3A_170 {strides = array<i32>} : memref<1056x1280xbf16, #tpu.memory_space<vmem>>, vector<32x1280xbf16>,
    %slice3A_174 = vector.extract_strided_slice %max3A_11 {offsets = [23, 0], sizes = [1, 1280], strides = [1, 1]} : vector<32x1280xf32> to vector<1x1280xf32>
    %mul3A_175 = vector.broadcast %slice3A_174 : vector<1x1280xf32> to vector<32x1280xf32>
    %mul3A_176 = arith.mulf %transpose3A_15, %mul3A_175 : vector<32x1280xf32>
    %convert_element_type3A_177 = arith.truncf %mul3A_176 : vector<32x1280xf32> to vector<32x1280xbf16>
    %swap3A_178 = arith.constant 736 : index
    %swap3A_179 = arith.constant 0 : index
    %swap3A_180 = vector.load %arg7[%swap3A_178, %swap3A_179] : memref<1056x1280xbf16, #tpu.memory_space<vmem>>, vector<32x1280xbf16>
    tpu.vector_store %arg7[%swap3A_178, %swap3A_179], %convert_element_type3A_177 {strides = array<i32>} : memref<1056x1280xbf16, #tpu.memory_space<vmem>>, vector<32x1280xbf16>,
    %slice3A_181 = vector.extract_strided_slice %max3A_11 {offsets = [24, 0], sizes = [1, 1280], strides = [1, 1]} : vector<32x1280xf32> to vector<1x1280xf32>
    %mul3A_182 = vector.broadcast %slice3A_181 : vector<1x1280xf32> to vector<32x1280xf32>
    %mul3A_183 = arith.mulf %transpose3A_15, %mul3A_182 : vector<32x1280xf32>
    %convert_element_type3A_184 = arith.truncf %mul3A_183 : vector<32x1280xf32> to vector<32x1280xbf16>
    %swap3A_185 = arith.constant 768 : index
    %swap3A_186 = arith.constant 0 : index
    %swap3A_187 = vector.load %arg7[%swap3A_185, %swap3A_186] : memref<1056x1280xbf16, #tpu.memory_space<vmem>>, vector<32x1280xbf16>
    tpu.vector_store %arg7[%swap3A_185, %swap3A_186], %convert_element_type3A_184 {strides = array<i32>} : memref<1056x1280xbf16, #tpu.memory_space<vmem>>, vector<32x1280xbf16>,
    %slice3A_188 = vector.extract_strided_slice %max3A_11 {offsets = [25, 0], sizes = [1, 1280], strides = [1, 1]} : vector<32x1280xf32> to vector<1x1280xf32>
    %mul3A_189 = vector.broadcast %slice3A_188 : vector<1x1280xf32> to vector<32x1280xf32>
    %mul3A_190 = arith.mulf %transpose3A_15, %mul3A_189 : vector<32x1280xf32>
    %convert_element_type3A_191 = arith.truncf %mul3A_190 : vector<32x1280xf32> to vector<32x1280xbf16>
    %swap3A_192 = arith.constant 800 : index
    %swap3A_193 = arith.constant 0 : index
    %swap3A_194 = vector.load %arg7[%swap3A_192, %swap3A_193] : memref<1056x1280xbf16, #tpu.memory_space<vmem>>, vector<32x1280xbf16>
    tpu.vector_store %arg7[%swap3A_192, %swap3A_193], %convert_element_type3A_191 {strides = array<i32>} : memref<1056x1280xbf16, #tpu.memory_space<vmem>>, vector<32x1280xbf16>,
    %slice3A_195 = vector.extract_strided_slice %max3A_11 {offsets = [26, 0], sizes = [1, 1280], strides = [1, 1]} : vector<32x1280xf32> to vector<1x1280xf32>
    %mul3A_196 = vector.broadcast %slice3A_195 : vector<1x1280xf32> to vector<32x1280xf32>
    %mul3A_197 = arith.mulf %transpose3A_15, %mul3A_196 : vector<32x1280xf32>
    %convert_element_type3A_198 = arith.truncf %mul3A_197 : vector<32x1280xf32> to vector<32x1280xbf16>
    %swap3A_199 = arith.constant 832 : index
    %swap3A_200 = arith.constant 0 : index
    %swap3A_201 = vector.load %arg7[%swap3A_199, %swap3A_200] : memref<1056x1280xbf16, #tpu.memory_space<vmem>>, vector<32x1280xbf16>
    tpu.vector_store %arg7[%swap3A_199, %swap3A_200], %convert_element_type3A_198 {strides = array<i32>} : memref<1056x1280xbf16, #tpu.memory_space<vmem>>, vector<32x1280xbf16>,
    %slice3A_202 = vector.extract_strided_slice %max3A_11 {offsets = [27, 0], sizes = [1, 1280], strides = [1, 1]} : vector<32x1280xf32> to vector<1x1280xf32>
    %mul3A_203 = vector.broadcast %slice3A_202 : vector<1x1280xf32> to vector<32x1280xf32>
    %mul3A_204 = arith.mulf %transpose3A_15, %mul3A_203 : vector<32x1280xf32>
    %convert_element_type3A_205 = arith.truncf %mul3A_204 : vector<32x1280xf32> to vector<32x1280xbf16>
    %swap3A_206 = arith.constant 864 : index
    %swap3A_207 = arith.constant 0 : index
    %swap3A_208 = vector.load %arg7[%swap3A_206, %swap3A_207] : memref<1056x1280xbf16, #tpu.memory_space<vmem>>, vector<32x1280xbf16>
    tpu.vector_store %arg7[%swap3A_206, %swap3A_207], %convert_element_type3A_205 {strides = array<i32>} : memref<1056x1280xbf16, #tpu.memory_space<vmem>>, vector<32x1280xbf16>,
    %slice3A_209 = vector.extract_strided_slice %max3A_11 {offsets = [28, 0], sizes = [1, 1280], strides = [1, 1]} : vector<32x1280xf32> to vector<1x1280xf32>
    %mul3A_210 = vector.broadcast %slice3A_209 : vector<1x1280xf32> to vector<32x1280xf32>
    %mul3A_211 = arith.mulf %transpose3A_15, %mul3A_210 : vector<32x1280xf32>
    %convert_element_type3A_212 = arith.truncf %mul3A_211 : vector<32x1280xf32> to vector<32x1280xbf16>
    %swap3A_213 = arith.constant 896 : index
    %swap3A_214 = arith.constant 0 : index
    %swap3A_215 = vector.load %arg7[%swap3A_213, %swap3A_214] : memref<1056x1280xbf16, #tpu.memory_space<vmem>>, vector<32x1280xbf16>
    tpu.vector_store %arg7[%swap3A_213, %swap3A_214], %convert_element_type3A_212 {strides = array<i32>} : memref<1056x1280xbf16, #tpu.memory_space<vmem>>, vector<32x1280xbf16>,
    %slice3A_216 = vector.extract_strided_slice %max3A_11 {offsets = [29, 0], sizes = [1, 1280], strides = [1, 1]} : vector<32x1280xf32> to vector<1x1280xf32>
    %mul3A_217 = vector.broadcast %slice3A_216 : vector<1x1280xf32> to vector<32x1280xf32>
    %mul3A_218 = arith.mulf %transpose3A_15, %mul3A_217 : vector<32x1280xf32>
    %convert_element_type3A_219 = arith.truncf %mul3A_218 : vector<32x1280xf32> to vector<32x1280xbf16>
    %swap3A_220 = arith.constant 928 : index
    %swap3A_221 = arith.constant 0 : index
    %swap3A_222 = vector.load %arg7[%swap3A_220, %swap3A_221] : memref<1056x1280xbf16, #tpu.memory_space<vmem>>, vector<32x1280xbf16>
    tpu.vector_store %arg7[%swap3A_220, %swap3A_221], %convert_element_type3A_219 {strides = array<i32>} : memref<1056x1280xbf16, #tpu.memory_space<vmem>>, vector<32x1280xbf16>,
    %slice3A_223 = vector.extract_strided_slice %max3A_11 {offsets = [30, 0], sizes = [1, 1280], strides = [1, 1]} : vector<32x1280xf32> to vector<1x1280xf32>
    %mul3A_224 = vector.broadcast %slice3A_223 : vector<1x1280xf32> to vector<32x1280xf32>
    %mul3A_225 = arith.mulf %transpose3A_15, %mul3A_224 : vector<32x1280xf32>
    %convert_element_type3A_226 = arith.truncf %mul3A_225 : vector<32x1280xf32> to vector<32x1280xbf16>
    %swap3A_227 = arith.constant 960 : index
    %swap3A_228 = arith.constant 0 : index
    %swap3A_229 = vector.load %arg7[%swap3A_227, %swap3A_228] : memref<1056x1280xbf16, #tpu.memory_space<vmem>>, vector<32x1280xbf16>
    tpu.vector_store %arg7[%swap3A_227, %swap3A_228], %convert_element_type3A_226 {strides = array<i32>} : memref<1056x1280xbf16, #tpu.memory_space<vmem>>, vector<32x1280xbf16>,
    %slice3A_230 = vector.extract_strided_slice %max3A_11 {offsets = [31, 0], sizes = [1, 1280], strides = [1, 1]} : vector<32x1280xf32> to vector<1x1280xf32>
    %mul3A_231 = vector.broadcast %slice3A_230 : vector<1x1280xf32> to vector<32x1280xf32>
    %mul3A_232 = arith.mulf %transpose3A_15, %mul3A_231 : vector<32x1280xf32>
    %convert_element_type3A_233 = arith.truncf %mul3A_232 : vector<32x1280xf32> to vector<32x1280xbf16>
    %swap3A_234 = arith.constant 992 : index
    %swap3A_235 = arith.constant 0 : index
    %swap3A_236 = vector.load %arg7[%swap3A_234, %swap3A_235] : memref<1056x1280xbf16, #tpu.memory_space<vmem>>, vector<32x1280xbf16>
    tpu.vector_store %arg7[%swap3A_234, %swap3A_235], %convert_element_type3A_233 {strides = array<i32>} : memref<1056x1280xbf16, #tpu.memory_space<vmem>>, vector<32x1280xbf16>,
    %convert_element_type3A_237 = arith.truncf %transpose3A_15 : vector<32x1280xf32> to vector<32x1280xbf16>
    %swap3A_238 = arith.constant 1024 : index
    %swap3A_239 = arith.constant 0 : index
    %swap3A_240 = vector.load %arg7[%swap3A_238, %swap3A_239] : memref<1056x1280xbf16, #tpu.memory_space<vmem>>, vector<32x1280xbf16>
    tpu.vector_store %arg7[%swap3A_238, %swap3A_239], %convert_element_type3A_237 {strides = array<i32>} : memref<1056x1280xbf16, #tpu.memory_space<vmem>>, vector<32x1280xbf16>,
    %get3A_241 = arith.constant 0 : index
    %get3A_242 = arith.constant 0 : index
    %get3A_243 = vector.load %arg5[%get3A_241, %get3A_242] : memref<32x1056xbf16, #tpu.memory_space<vmem>>, vector<32x1056xbf16>
    %get3A_244 = arith.constant 0 : index
    %get3A_245 = arith.constant 0 : index
    %get3A_246 = vector.load %arg7[%get3A_244, %get3A_245] : memref<1056x1280xbf16, #tpu.memory_space<vmem>>, vector<1056x1280xbf16>
    %dot_general3A_247 = arith.constant dense<0.000000e+00> : vector<32x1280xf32>
    %dot_general3A_248 = tpu.matmul %get3A_243, %get3A_246, %dot_general3A_247 {dimension_numbers = #tpu.dot_dimension_numbers<[1], [0], [0], [1], [0, 0, 1, 1], [], []>, transpose_lhs_hint = false} : vector<32x1056xbf16>, vector<1056x1280xbf16>, vector<32x1280xf32> -> vector<32x1280xf32>
    %transpose3A_249 = tpu.transpose %dot_general3A_248, [1, 0] : vector<32x1280xf32> -> vector<1280x32xf32>
    %swap3A_250 = arith.constant 0 : index
    %swap3A_251 = arith.constant 0 : index
    %swap3A_252 = vector.load %arg6[%swap3A_250, %swap3A_251] : memref<1280x32xf32, #tpu.memory_space<vmem>>, vector<1280x32xf32>
    tpu.vector_store %arg6[%swap3A_250, %swap3A_251], %transpose3A_249 {strides = array<i32>} : memref<1280x32xf32, #tpu.memory_space<vmem>>, vector<1280x32xf32>,
    return
  }
  func.func @transform_0(%arg0: i32) -> (i32, i32) {
    %c0_i32 = arith.constant 0 : i32
    %c0_i32_0 = arith.constant 0 : i32
    return %arg0, %c0_i32 : i32, i32
  }
  func.func @transform_1(%arg0: i32) -> (i32, i32) {
    %c0_i32 = arith.constant 0 : i32
    %c0_i32_0 = arith.constant 0 : i32
    return %arg0, %c0_i32 : i32, i32
  }
  func.func @transform_2(%arg0: i32) -> (i32, i32) {
    %c0_i32 = arith.constant 0 : i32
    %c0_i32_0 = arith.constant 0 : i32
    %c0_i32_1 = arith.constant 0 : i32
    return %c0_i32, %c0_i32_0 : i32, i32
  }
  func.func @transform_3(%arg0: i32) -> (i32, i32) {
    %c0_i32 = arith.constant 0 : i32
    %c0_i32_0 = arith.constant 0 : i32
    %c0_i32_1 = arith.constant 0 : i32
    return %c0_i32, %c0_i32_0 : i32, i32
  }
  func.func @transform_4(%arg0: i32) -> (i32, i32) {
    %c0_i32 = arith.constant 0 : i32
    %c0_i32_0 = arith.constant 0 : i32
    %c0_i32_1 = arith.constant 0 : i32
    return %c0_i32, %c0_i32_0 : i32, i32
  }
  func.func @transform_5(%arg0: i32) -> (i32, i32) {
    %c0_i32 = arith.constant 0 : i32
    %c0_i32_0 = arith.constant 0 : i32
    return %arg0, %c0_i32 : i32, i32
  }
}

module attributes {stable_mosaic.version = 14 : i64} {
  func.func @_tail_body(%arg0: i32, %arg1: memref<1000x32xf32, #tpu.memory_space<vmem>>, %arg2: memref<1000x32xf32, #tpu.memory_space<vmem>>, %arg3: memref<1000x32xf32, #tpu.memory_space<vmem>>, %arg4: memref<1000x16xf32, #tpu.memory_space<vmem>>, %arg5: memref<1000x16xf32, #tpu.memory_space<vmem>>, %arg6: memref<32x32xf32, #tpu.memory_space<vmem>>, %arg7: memref<1x32xf32, #tpu.memory_space<vmem>>, %arg8: memref<32x96xf32, #tpu.memory_space<vmem>>, %arg9: memref<1x96xf32, #tpu.memory_space<vmem>>, %arg10: memref<32x96xf32, #tpu.memory_space<vmem>>, %arg11: memref<1x96xf32, #tpu.memory_space<vmem>>, %arg12: memref<1000x32xf32, #tpu.memory_space<vmem>>, %arg13: memref<1000x32xf32, #tpu.memory_space<vmem>>) attributes {dimension_semantics = [#tpu.dimension_semantics<arbitrary>], iteration_bounds = array<i64: 10>, scalar_prefetch = 0 : i64, scratch_operands = 0 : i64, tpu.core_type = #tpu.core_type<tc>, window_params = [{transform_indices = @transform_0, window_bounds = array<i64: 1000, 32>}, {transform_indices = @transform_1, window_bounds = array<i64: 1000, 32>}, {transform_indices = @transform_2, window_bounds = array<i64: 1000, 32>}, {transform_indices = @transform_3, window_bounds = array<i64: 1000, 16>}, {transform_indices = @transform_4, window_bounds = array<i64: 1000, 16>}, {pipeline_mode = #tpu.pipeline_mode<synchronous>, transform_indices = @transform_5, window_bounds = array<i64: 32, 32>}, {pipeline_mode = #tpu.pipeline_mode<synchronous>, transform_indices = @transform_6, window_bounds = array<i64: 1, 32>}, {pipeline_mode = #tpu.pipeline_mode<synchronous>, transform_indices = @transform_7, window_bounds = array<i64: 32, 96>}, {pipeline_mode = #tpu.pipeline_mode<synchronous>, transform_indices = @transform_8, window_bounds = array<i64: 1, 96>}, {pipeline_mode = #tpu.pipeline_mode<synchronous>, transform_indices = @transform_9, window_bounds = array<i64: 32, 96>}, {pipeline_mode = #tpu.pipeline_mode<synchronous>, transform_indices = @transform_10, window_bounds = array<i64: 1, 96>}, {transform_indices = @transform_11, window_bounds = array<i64: 1000, 32>}, {transform_indices = @transform_12, window_bounds = array<i64: 1000, 32>}]} {
    %get3A = arith.constant 0 : index
    %get3A_0 = arith.constant 0 : index
    %get3A_1 = vector.load %arg1[%get3A, %get3A_0] : memref<1000x32xf32, #tpu.memory_space<vmem>>, vector<1000x32xf32>
    %get3A_2 = arith.constant 0 : index
    %get3A_3 = arith.constant 0 : index
    %get3A_4 = vector.load %arg2[%get3A_2, %get3A_3] : memref<1000x32xf32, #tpu.memory_space<vmem>>, vector<1000x32xf32>
    %get3A_5 = arith.constant 0 : index
    %get3A_6 = arith.constant 0 : index
    %get3A_7 = vector.load %arg3[%get3A_5, %get3A_6] : memref<1000x32xf32, #tpu.memory_space<vmem>>, vector<1000x32xf32>
    %add3A = arith.addf %get3A_4, %get3A_7 : vector<1000x32xf32>
    %get3A_8 = arith.constant 0 : index
    %get3A_9 = arith.constant 0 : index
    %get3A_10 = vector.load %arg4[%get3A_8, %get3A_9] : memref<1000x16xf32, #tpu.memory_space<vmem>>, vector<1000x1xf32>
    %get3A_11 = arith.constant 0 : index
    %get3A_12 = arith.constant 0 : index
    %get3A_13 = vector.load %arg5[%get3A_11, %get3A_12] : memref<1000x16xf32, #tpu.memory_space<vmem>>, vector<1000x1xf32>
    %add3A_14 = arith.addf %get3A_10, %get3A_13 : vector<1000x1xf32>
    %max3A = arith.constant 1.000000e+00 : f32
    %max3A_15 = vector.broadcast %max3A : f32 to vector<1000x1xf32>
    %max3A_16 = arith.maximumf %add3A_14, %max3A_15 : vector<1000x1xf32>
    %div3A = vector.broadcast %max3A_16 : vector<1000x1xf32> to vector<1000x32xf32>
    %div3A_17 = arith.divf %add3A, %div3A : vector<1000x32xf32>
    %get3A_18 = arith.constant 0 : index
    %get3A_19 = arith.constant 0 : index
    %get3A_20 = vector.load %arg6[%get3A_18, %get3A_19] : memref<32x32xf32, #tpu.memory_space<vmem>>, vector<32x32xf32>
    %dot_general3A = arith.constant dense<0.000000e+00> : vector<1000x32xf32>
    %dot_general3A_21 = tpu.matmul %get3A_1, %get3A_20, %dot_general3A {dimension_numbers = #tpu.dot_dimension_numbers<[1], [0], [0], [1], [0, 0, 1, 1], [], []>, transpose_lhs_hint = false} : vector<1000x32xf32>, vector<32x32xf32>, vector<1000x32xf32> -> vector<1000x32xf32>
    %add3A_22 = arith.addf %div3A_17, %dot_general3A_21 : vector<1000x32xf32>
    %get3A_23 = arith.constant 0 : index
    %get3A_24 = arith.constant 0 : index
    %get3A_25 = vector.load %arg7[%get3A_23, %get3A_24] : memref<1x32xf32, #tpu.memory_space<vmem>>, vector<1x32xf32>
    %add3A_26 = vector.broadcast %get3A_25 : vector<1x32xf32> to vector<1000x32xf32>
    %add3A_27 = arith.addf %add3A_22, %add3A_26 : vector<1000x32xf32>
    %max3A_28 = arith.constant 0.000000e+00 : f32
    %max3A_29 = vector.broadcast %max3A_28 : f32 to vector<1000x32xf32>
    %max3A_30 = arith.maximumf %add3A_27, %max3A_29 : vector<1000x32xf32>
    %min3A = arith.constant 0.000000e+00 : f32
    %min3A_31 = vector.broadcast %min3A : f32 to vector<1000x32xf32>
    %min3A_32 = arith.minimumf %add3A_27, %min3A_31 : vector<1000x32xf32>
    %exp3A = math.exp %min3A_32 : vector<1000x32xf32>
    %sub3A = arith.constant 1.000000e+00 : f32
    %sub3A_33 = vector.broadcast %sub3A : f32 to vector<1000x32xf32>
    %sub3A_34 = arith.subf %exp3A, %sub3A_33 : vector<1000x32xf32>
    %add3A_35 = arith.addf %max3A_30, %sub3A_34 : vector<1000x32xf32>
    %get3A_36 = arith.constant 0 : index
    %get3A_37 = arith.constant 0 : index
    %get3A_38 = vector.load %arg8[%get3A_36, %get3A_37] : memref<32x96xf32, #tpu.memory_space<vmem>>, vector<32x96xf32>
    %dot_general3A_39 = arith.constant dense<0.000000e+00> : vector<1000x96xf32>
    %dot_general3A_40 = tpu.matmul %add3A_35, %get3A_38, %dot_general3A_39 {dimension_numbers = #tpu.dot_dimension_numbers<[1], [0], [0], [1], [0, 0, 1, 1], [], []>, transpose_lhs_hint = false} : vector<1000x32xf32>, vector<32x96xf32>, vector<1000x96xf32> -> vector<1000x96xf32>
    %get3A_41 = arith.constant 0 : index
    %get3A_42 = arith.constant 0 : index
    %get3A_43 = vector.load %arg9[%get3A_41, %get3A_42] : memref<1x96xf32, #tpu.memory_space<vmem>>, vector<1x96xf32>
    %add3A_44 = vector.broadcast %get3A_43 : vector<1x96xf32> to vector<1000x96xf32>
    %add3A_45 = arith.addf %dot_general3A_40, %add3A_44 : vector<1000x96xf32>
    %get3A_46 = arith.constant 0 : index
    %get3A_47 = arith.constant 0 : index
    %get3A_48 = vector.load %arg10[%get3A_46, %get3A_47] : memref<32x96xf32, #tpu.memory_space<vmem>>, vector<32x96xf32>
    %dot_general3A_49 = arith.constant dense<0.000000e+00> : vector<1000x96xf32>
    %dot_general3A_50 = tpu.matmul %get3A_1, %get3A_48, %dot_general3A_49 {dimension_numbers = #tpu.dot_dimension_numbers<[1], [0], [0], [1], [0, 0, 1, 1], [], []>, transpose_lhs_hint = false} : vector<1000x32xf32>, vector<32x96xf32>, vector<1000x96xf32> -> vector<1000x96xf32>
    %get3A_51 = arith.constant 0 : index
    %get3A_52 = arith.constant 0 : index
    %get3A_53 = vector.load %arg11[%get3A_51, %get3A_52] : memref<1x96xf32, #tpu.memory_space<vmem>>, vector<1x96xf32>
    %add3A_54 = vector.broadcast %get3A_53 : vector<1x96xf32> to vector<1000x96xf32>
    %add3A_55 = arith.addf %dot_general3A_50, %add3A_54 : vector<1000x96xf32>
    %slice3A = vector.extract_strided_slice %add3A_45 {offsets = [0, 0], sizes = [1000, 32], strides = [1, 1]} : vector<1000x96xf32> to vector<1000x32xf32>
    %slice3A_56 = vector.extract_strided_slice %add3A_55 {offsets = [0, 0], sizes = [1000, 32], strides = [1, 1]} : vector<1000x96xf32> to vector<1000x32xf32>
    %add3A_57 = arith.addf %slice3A, %slice3A_56 : vector<1000x32xf32>
    %logistic3A = arith.negf %add3A_57 : vector<1000x32xf32>
    %logistic3A_58 = math.exp %logistic3A : vector<1000x32xf32>
    %logistic3A_59 = arith.constant 1.000000e+00 : f32
    %logistic3A_60 = vector.broadcast %logistic3A_59 : f32 to vector<1000x32xf32>
    %logistic3A_61 = arith.addf %logistic3A_60, %logistic3A_58 : vector<1000x32xf32>
    %logistic3A_62 = arith.divf %logistic3A_60, %logistic3A_61 : vector<1000x32xf32>
    %slice3A_63 = vector.extract_strided_slice %add3A_45 {offsets = [0, 32], sizes = [1000, 32], strides = [1, 1]} : vector<1000x96xf32> to vector<1000x32xf32>
    %slice3A_64 = vector.extract_strided_slice %add3A_55 {offsets = [0, 32], sizes = [1000, 32], strides = [1, 1]} : vector<1000x96xf32> to vector<1000x32xf32>
    %add3A_65 = arith.addf %slice3A_63, %slice3A_64 : vector<1000x32xf32>
    %logistic3A_66 = arith.negf %add3A_65 : vector<1000x32xf32>
    %logistic3A_67 = math.exp %logistic3A_66 : vector<1000x32xf32>
    %logistic3A_68 = arith.constant 1.000000e+00 : f32
    %logistic3A_69 = vector.broadcast %logistic3A_68 : f32 to vector<1000x32xf32>
    %logistic3A_70 = arith.addf %logistic3A_69, %logistic3A_67 : vector<1000x32xf32>
    %logistic3A_71 = arith.divf %logistic3A_69, %logistic3A_70 : vector<1000x32xf32>
    %slice3A_72 = vector.extract_strided_slice %add3A_45 {offsets = [0, 64], sizes = [1000, 32], strides = [1, 1]} : vector<1000x96xf32> to vector<1000x32xf32>
    %slice3A_73 = vector.extract_strided_slice %add3A_55 {offsets = [0, 64], sizes = [1000, 32], strides = [1, 1]} : vector<1000x96xf32> to vector<1000x32xf32>
    %mul3A = arith.mulf %logistic3A_62, %slice3A_73 : vector<1000x32xf32>
    %add3A_74 = arith.addf %slice3A_72, %mul3A : vector<1000x32xf32>
    %tanh3A = math.tanh %add3A_74 : vector<1000x32xf32>
    %sub3A_75 = arith.constant 1.000000e+00 : f32
    %sub3A_76 = vector.broadcast %sub3A_75 : f32 to vector<1000x32xf32>
    %sub3A_77 = arith.subf %sub3A_76, %logistic3A_71 : vector<1000x32xf32>
    %mul3A_78 = arith.mulf %sub3A_77, %tanh3A : vector<1000x32xf32>
    %mul3A_79 = arith.mulf %logistic3A_71, %get3A_1 : vector<1000x32xf32>
    %add3A_80 = arith.addf %mul3A_78, %mul3A_79 : vector<1000x32xf32>
    %swap3A = arith.constant 0 : index
    %swap3A_81 = arith.constant 0 : index
    %swap3A_82 = vector.load %arg13[%swap3A, %swap3A_81] : memref<1000x32xf32, #tpu.memory_space<vmem>>, vector<1000x32xf32>
    tpu.vector_store %arg13[%swap3A, %swap3A_81], %add3A_80 {strides = array<i32>} : memref<1000x32xf32, #tpu.memory_space<vmem>>, vector<1000x32xf32>,
    %add3A_83 = arith.addf %add3A_80, %get3A_1 : vector<1000x32xf32>
    %max3A_84 = arith.constant 0.000000e+00 : f32
    %max3A_85 = vector.broadcast %max3A_84 : f32 to vector<1000x32xf32>
    %max3A_86 = arith.maximumf %add3A_83, %max3A_85 : vector<1000x32xf32>
    %swap3A_87 = arith.constant 0 : index
    %swap3A_88 = arith.constant 0 : index
    %swap3A_89 = vector.load %arg12[%swap3A_87, %swap3A_88] : memref<1000x32xf32, #tpu.memory_space<vmem>>, vector<1000x32xf32>
    tpu.vector_store %arg12[%swap3A_87, %swap3A_88], %max3A_86 {strides = array<i32>} : memref<1000x32xf32, #tpu.memory_space<vmem>>, vector<1000x32xf32>,
    return
  }
  func.func @transform_0(%arg0: i32) -> (i32, i32) {
    %c0_i32 = arith.constant 0 : i32
    %c0_i32_0 = arith.constant 0 : i32
    return %arg0, %c0_i32 : i32, i32
  }
  func.func @transform_1(%arg0: i32) -> (i32, i32) {
    %c0_i32 = arith.constant 0 : i32
    %c0_i32_0 = arith.constant 0 : i32
    return %arg0, %c0_i32 : i32, i32
  }
  func.func @transform_2(%arg0: i32) -> (i32, i32) {
    %add3A = arith.constant 16 : i32
    %add3A_0 = arith.addi %arg0, %add3A : i32
    %c0_i32 = arith.constant 0 : i32
    %c0_i32_1 = arith.constant 0 : i32
    return %add3A_0, %c0_i32 : i32, i32
  }
  func.func @transform_3(%arg0: i32) -> (i32, i32) {
    %c0_i32 = arith.constant 0 : i32
    %c0_i32_0 = arith.constant 0 : i32
    return %arg0, %c0_i32 : i32, i32
  }
  func.func @transform_4(%arg0: i32) -> (i32, i32) {
    %add3A = arith.constant 16 : i32
    %add3A_0 = arith.addi %arg0, %add3A : i32
    %c0_i32 = arith.constant 0 : i32
    %c0_i32_1 = arith.constant 0 : i32
    return %add3A_0, %c0_i32 : i32, i32
  }
  func.func @transform_5(%arg0: i32) -> (i32, i32) {
    %c0_i32 = arith.constant 0 : i32
    %c0_i32_0 = arith.constant 0 : i32
    %c0_i32_1 = arith.constant 0 : i32
    return %c0_i32, %c0_i32_0 : i32, i32
  }
  func.func @transform_6(%arg0: i32) -> (i32, i32) {
    %c0_i32 = arith.constant 0 : i32
    %c0_i32_0 = arith.constant 0 : i32
    %c0_i32_1 = arith.constant 0 : i32
    return %c0_i32, %c0_i32_0 : i32, i32
  }
  func.func @transform_7(%arg0: i32) -> (i32, i32) {
    %c0_i32 = arith.constant 0 : i32
    %c0_i32_0 = arith.constant 0 : i32
    %c0_i32_1 = arith.constant 0 : i32
    return %c0_i32, %c0_i32_0 : i32, i32
  }
  func.func @transform_8(%arg0: i32) -> (i32, i32) {
    %c0_i32 = arith.constant 0 : i32
    %c0_i32_0 = arith.constant 0 : i32
    %c0_i32_1 = arith.constant 0 : i32
    return %c0_i32, %c0_i32_0 : i32, i32
  }
  func.func @transform_9(%arg0: i32) -> (i32, i32) {
    %c0_i32 = arith.constant 0 : i32
    %c0_i32_0 = arith.constant 0 : i32
    %c0_i32_1 = arith.constant 0 : i32
    return %c0_i32, %c0_i32_0 : i32, i32
  }
  func.func @transform_10(%arg0: i32) -> (i32, i32) {
    %c0_i32 = arith.constant 0 : i32
    %c0_i32_0 = arith.constant 0 : i32
    %c0_i32_1 = arith.constant 0 : i32
    return %c0_i32, %c0_i32_0 : i32, i32
  }
  func.func @transform_11(%arg0: i32) -> (i32, i32) {
    %c0_i32 = arith.constant 0 : i32
    %c0_i32_0 = arith.constant 0 : i32
    return %arg0, %c0_i32 : i32, i32
  }
  func.func @transform_12(%arg0: i32) -> (i32, i32) {
    %c0_i32 = arith.constant 0 : i32
    %c0_i32_0 = arith.constant 0 : i32
    return %arg0, %c0_i32 : i32, i32
  }
}

</mosaic_0001>

<sc_bundles>
// kernel: kernel.6.cloned.1.call-start
scs
__scs_entry_jumppad:
0x0: {  	(pc) =	sbr.rel $0x88, $3  }
0x1: {  	(tag) =	ssettag $0x0;
	lr =	simm.s32 $0x1  }
0x2: {  	[smem:$0x3F94] =	sst lr;
	_ =	strace $0xD0000000  }
0x3: {  	_ = 	snop  }
0x4: {  	_ = 	snop  }
0x5: {  	_ = 	snop  }
0x6: {  	_ = 	snop  }
0x7: {  	_ = 	snop  }
__scs_overlays_trampoline_lowered:
0x8: {  	[smem:$0x3FA3] =	sst s0  }
0x9: {  	[smem:$0x3FA4] =	sst s1  }
0xa: {  	[smem:$0x3FA5] =	sst s2  }
0xb: {  	[smem:$0x3FA6] =	sst s3  }
0xc: {  	[smem:$0x3FA7] =	sst s4  }
0xd: {  	[smem:$0x3FA8] =	sst s5  }
0xe: {  	[smem:$0x3FA9] =	sst s6  }
0xf: {  	[smem:$0x3FAA] =	sst s7  }
0x10: {  	[smem:$0x3FAB] =	sst s8  }
0x11: {  	[smem:$0x3FAC] =	sst s9;
	s0 =	simm.s32 @!p0 $0x0  }
0x12: {  	s1 =	sld [smem:$0x3F92];
	s0 =	simm.s32 @p0 $0x1  }
0x13: {  	[smem:$0x3FAD] =	sst s0;
	s0 =	simm.s32 @!p1 $0x0  }
0x14: {  	s2 =	sld [smem:$0x3F91];
	s0 =	simm.s32 @p1 $0x1  }
0x15: {  	[smem:$0x3FAE] =	sst s0;
	s0 =	simm.s32 @!p2 $0x0  }
0x16: {  	s3 =	sld [smem:$0x3FDB];
	s0 =	simm.s32 @p2 $0x1  }
0x17: {  	s4 =	simm.s32 $0x1BF5;
	[smem:$0x3FB0] =	sst s0  }
0x18: {  	s0 =	sld [smem:$0x3F93];
	_ =	swait.ge [sflag:s4], $0x0  }
0x19: {  	s7 =	sld [smem:$0x3F94]  }
0x1a: {  	s8 =	sadd.s32 $0xFFFFE003, lr  }
0x1b: {  	s9 =	sadd.s32 $0xFFFFFEF7, lr;
	s5 =	simm.s32 $0xFFFFFFFF;
	p2 =	slt.u32 s8, $0xFFFFF086  }
0x1c: {  	p1 =	slt.u32 s9, $0xF7A;
	s5 =	simm.s32 @!p2 $0x0  }
0x1d: {  	s5 =	simm.s32 @p1 $0x1;
	p0 =	seq.s32 s7, s2  }
0x1e: {  	s7 =	smul.u32 @!p0 $0xF7A, s2;
	p2 =	seq.s32 @!p0 s5, $0x0  }
0x1f: {  	s9 =	smul.u32 $0xF7A, s1;
	s8 =	simm.s32 @!p0 $0x1BF5;
	p2 =	por !p2, p0  }
0x20: {  	[sflag:s8] =	ssyncset.s32 @!p0 $0xFFFFF086;
	s6 =	sadd.s32 @!p0 s3, s7;
	s7 =	simm.s32 @!p0 $0x108  }
0x21: {  	s3 =	sadd.s32 s3, s9;
	s6 =	sadd.s32 @!p0 $0x88, s6;
	s7 =	simm.s32 @p2 $0x1082  }
0x22: {  	[simem:s7], [sflag:s8] =	dma.local @!p0 [hbm:s6], $0xF7A  }
0x23: {  	s9 =	sor.u32 $0xD0000000, s2;
	s6 =	simm.s32 $0x108;
	_ =	swait.ge @!p0 [sflag:s8], $0x0  }
0x24: {  	s3 =	sadd.s32 $0x88, s3;
	s6 =	simm.s32 @!p1 $0x1082;
	[sflag:s4] =	ssyncset.s32 $0xFFFFF086  }
0x25: {  	[simem:s6], [sflag:s4] =	dma.local [hbm:s3], $0xF7A  }
0x26: {  	[smem:$0x3F94] =	sst s1;
	(tag) =	ssettag s2;
	_ =	strace s9  }
0x27: {  	s1 =	sld [smem:$0x3FA4]  }
0x28: {  	s2 =	sld [smem:$0x3FA5]  }
0x29: {  	s4 =	sld [smem:$0x3FA7]  }
0x2a: {  	p0 =	seq.s32 s5, $0x0;
	s5 =	sld [smem:$0x3FA8]  }
0x2b: {  	s6 =	sld [smem:$0x3FA9]  }
0x2c: {  	s7 =	sld [smem:$0x3FAA]  }
0x2d: {  	s3 =	simm.s32 $0x108;
	s8 =	sld [smem:$0x3FAB]  }
0x2e: {  	s3 =	simm.s32 @!p0 $0x1082;
	s9 =	sld [smem:$0x3FAC]  }
0x2f: {  	lr =	sadd.s32 s0, s3;
	s0 =	sld [smem:$0x3FA3]  }
0x30: {  	s3 =	sld [smem:$0x3FA6]  }
0x31: {  	[smem:$0x3FAF] =	sst s10  }
0x32: {  	s10 =	sld [smem:$0x3FAD];
	_ =	sdelay $0x3  }
0x33: {  	p0 =	seq.s32 s10, $0x1;
	s10 =	sld [smem:$0x3FAF];
	_ =	sdelay $0x3  }
0x34: {  	[smem:$0x3FAF] =	sst s10  }
0x35: {  	s10 =	sld [smem:$0x3FAE];
	_ =	sdelay $0x3  }
0x36: {  	p1 =	seq.s32 s10, $0x1;
	s10 =	sld [smem:$0x3FAF];
	_ =	sdelay $0x3  }
0x37: {  	[smem:$0x3FAF] =	sst s10  }
0x38: {  	s10 =	sld [smem:$0x3FB0]  }
0x39: {  	_ = 	snop;
	(pc) =	sbr.ind lr, $3  }
0x3a: {  	_ = 	snop  }
0x3b: {  	_ = 	snop  }
0x3c: {  	p2 =	seq.s32 s10, $0x1;
	s10 =	sld [smem:$0x3FAF]  }
0x3d: {  	_ =	shalt  }
0x3e: {  	_ =	shalt  }
0x3f: {  	_ =	shalt  }
0x40: {  	_ =	shalt  }
0x41: {  	_ =	shalt  }
0x42: {  	_ =	shalt  }
0x43: {  	_ =	shalt  }
0x44: {  	_ =	shalt  }
0x45: {  	_ =	shalt  }
0x46: {  	_ =	shalt  }
0x47: {  	_ =	shalt  }
0x48: {  	_ =	shalt  }
0x49: {  	_ =	shalt  }
0x4a: {  	_ =	shalt  }
0x4b: {  	_ =	shalt  }
0x4c: {  	_ =	shalt  }
0x4d: {  	_ =	shalt  }
0x4e: {  	_ =	shalt  }
0x4f: {  	_ =	shalt  }
0x50: {  	_ =	shalt  }
0x51: {  	_ =	shalt  }
0x52: {  	_ =	shalt  }
0x53: {  	_ =	shalt  }
0x54: {  	_ =	shalt  }
0x55: {  	_ =	shalt  }
0x56: {  	_ =	shalt  }
0x57: {  	_ =	shalt  }
0x58: {  	_ =	shalt  }
0x59: {  	_ =	shalt  }
0x5a: {  	_ =	shalt  }
0x5b: {  	_ =	shalt  }
0x5c: {  	_ =	shalt  }
0x5d: {  	_ =	shalt  }
0x5e: {  	_ =	shalt  }
0x5f: {  	_ =	shalt  }
0x60: {  	_ =	shalt  }
0x61: {  	_ =	shalt  }
0x62: {  	_ =	shalt  }
0x63: {  	_ =	shalt  }
0x64: {  	_ =	shalt  }
0x65: {  	_ =	shalt  }
0x66: {  	_ =	shalt  }
0x67: {  	_ =	shalt  }
0x68: {  	_ =	shalt  }
0x69: {  	_ =	shalt  }
0x6a: {  	_ =	shalt  }
0x6b: {  	_ =	shalt  }
0x6c: {  	_ =	shalt  }
0x6d: {  	_ =	shalt  }
0x6e: {  	_ =	shalt  }
0x6f: {  	_ =	shalt  }
0x70: {  	_ =	shalt  }
0x71: {  	_ =	shalt  }
0x72: {  	_ =	shalt  }
0x73: {  	_ =	shalt  }
0x74: {  	_ =	shalt  }
0x75: {  	_ =	shalt  }
0x76: {  	_ =	shalt  }
0x77: {  	_ =	shalt  }
0x78: {  	_ =	shalt  }
0x79: {  	_ =	shalt  }
0x7a: {  	_ =	shalt  }
0x7b: {  	_ =	shalt  }
0x7c: {  	_ =	shalt  }
0x7d: {  	_ =	shalt  }
0x7e: {  	_ =	shalt  }
0x7f: {  	_ =	shalt  }
0x80: {  	_ =	shalt  }
0x81: {  	_ =	shalt  }
0x82: {  	_ =	shalt  }
0x83: {  	_ =	shalt  }
0x84: {  	_ =	shalt  }
0x85: {  	_ =	shalt  }
0x86: {  	_ =	shalt  }
0x87: {  	_ =	shalt  }
.Lfunc_end0:
.L_simem_size_0:
called_computation_lowered:
.L_overlay_start_0:
0x88: {  	s2 =	sld [smem:$0x3FD9]  }
0x89: {  	s3 =	sld [smem:$0x3FFE];
	_ =	sdelay $0x1  }
0x8a: {  	s1 =	srdreg.scid  }
0x8b: {  	s0 =	sand.u32 $0x1, s1  }
0x8c: {  	s14 =	sshll.u32 s0, $0xA;
	s2 =	sadd.s32 s3, s2  }
0x8d: {  	s2 =	sadd.s32 s2, s14  }
0x8e: {  	[smem:$0x3FBB] =	sst s2  }
0x8f: {  	_ = 	snop  }
0x90: {  	s2 =	sld [smem:$0x3FD0];
	_ =	sdelay $0x2  }
0x91: {  	s15 =	simm.s32 $0xA;
	s4 =	simm.s32 $0x10  }
0x92: {  	[smem:s4], [sflag:s15] =	dma.local [hbm:s2], $0x1  }
0x93: {  	_ =	swait.eq [sflag:s15], $0x1  }
0x94: {  	[sflag:s15] =	ssyncset.done $0x0  }
0x95: {  	[sflag:s15] =	ssyncadd.s32 $0xFFFFFFFF  }
0x96: {  	s16 =	sld [smem:$0x11];
	(tm) =	ssettm $0x1  }
0x97: {  	s17 =	sld [smem:$0x3FFB];
	_ =	sdelay $0x3  }
0x98: {  	_ =	strace s17  }
0x99: {  	s3 =	sld [smem:$0x3FFC];
	_ =	sdelay $0x3  }
0x9a: {  	_ =	strace s3  }
0x9b: {  	s3 =	sld [smem:$0x3FFD];
	_ =	sdelay $0x3  }
0x9c: {  	_ =	strace s3  }
0x9d: {  	_ =	strace $0x8FFFFFFF  }
0x9e: {  	s18 =	sld [smem:$0x3FDB];
	_ =	sdelay $0x1  }
0x9f: {  	s19 =	simm.s32 $_scs_section_size  }
0xa0: {  	s5 =	simm.s32 $_size__tile_overlayer_lowered;
	s6 =	simm.s32 $_tile_overlayer_lowered  }
0xa1: {  	s22 =	simm.s32 $0x1BFF;
	s21 =	sshll.u32 s6, $0x1;
	s3 =	sadd.s32 s19, s18  }
0xa2: {  	s7 =	simm.s32 $0x0;
	s20 =	sshll.u32 s5, $0x1;
	s5 =	sadd.s32 s21, s3  }
0xa3: {  	[timem:s7], [sflag:s22] =	dma.local [hbm:s5], s20  }
0xa4: {  	_ =	swait.ge [sflag:s22], s20  }
0xa5: {  	s4 =	ssub.s32 $0x0, s20;
	[sflag:s22] =	ssyncset.done $0x0  }
0xa6: {  	[sflag:s22] =	ssyncadd.s32 s4;
	_ =	sdelay $0x1  }
0xa7: {  	s23 =	simm.s32 $0x1B8B  }
0xa8: {  	_ =	swait.ge [sflag:s23], $0x1  }
0xa9: {  	[sflag:s23] =	ssyncset.done $0x0  }
0xaa: {  	s25 =	simm.s32 $0x1B8E;
	s24 =	sld [smem:$0x3FFE];
	[sflag:s23] =	ssyncadd.s32 $0xFFFFFFFF  }
0xab: {  	s26 =	simm.s32 $execute0_lowered;
	[smem:$0x3FD2] =	sst s25  }
0xac: {  	s5 =	sshll.u32 s26, $0x1;
	_ =	strace $0x80000046;
	[dreg:$0x1] =	wrdreg $0xFFFFFFFF  }
0xad: {  	s28 =	simm.s32 $_size_execute0_lowered;
	s3 =	sadd.s32 s3, s5;
	[dreg:$0x0] =	wrdreg $0x0  }
0xae: {  	s5 =	sshll.u32 s28, $0x1;
	[dreg:$0x2] =	wrdreg s3  }
0xaf: {  	[dreg:$0x3] =	wrdreg s5  }
0xb0: {  	[dreg:$0x4] =	wrdreg $0xC0  }
0xb1: {  	_ =	task [dreg:s7], $0x5FFFF  }
0xb2: {  	[dreg:$0x1] =	wrdreg $0xFFFFFFFF  }
0xb3: {  	[dreg:$0x0] =	wrdreg $0x60  }
0xb4: {  	[dreg:$0x2] =	wrdreg s24  }
0xb5: {  	[dreg:$0x3] =	wrdreg s16  }
0xb6: {  	[dreg:$0x4] =	wrdreg $0x9  }
0xb7: {  	_ =	task.clear_ibuf [dreg:s7], $0x5FFFF;
	_ =	strace $0x90000046  }
0xb8: {  	s29 =	simm.s32 $0x9;
	_ =	strace $0x80000048  }
0xb9: {  	_ =	swait.ge [sflag:s29], $0x1  }
0xba: {  	[sflag:s29] =	ssyncadd.s32 $0xFFFFFFFF  }
0xbb: {  	_ =	strace $0x90000048  }
0xbc: {  	_ =	sfence  }
0xbd: {  	s30 =	sld [smem:$0x0];
	_ =	sdelay $0x2  }
0xbe: {  	s31 =	sshll.u32 s1, $0xD;
	s1 =	sshrl.u32 s1, $0x2  }
0xbf: {  	s3 =	sand.u32 $0x4000, s31;
	s1 =	sadd.s32 s1, s30  }
0xc0: {  	s0 =	sor.u32 s3, s0;
	s1 =	sshll.u32 s1, $0x11  }
0xc1: {  	s0 =	sor.u32 s1, s0  }
0xc2: {  	s0 =	sadd.s32 $0x8F2B, s0  }
0xc3: {  	[sflag:s0] =	ssyncadd.remote.s32 $0x1  }
0xc4: {  	_ =	sfence.sel $0xFFFF  }
0xc5: {  	[dreg:$0x0] =	wrdreg $0xFFFFFFFF;
	(pc) =	sbr.abs _section_cstart, $3  }
0xc6: {  	[dreg:$0x1] =	wrdreg $0xFFFFFFFF  }
0xc7: {  	_ =	task.clear_ibuf [dreg:s7], $0x2FFFF;
	_ =	strace $0x9FFFFFFF  }
0xc8: {  	(tm) =	ssettm $0x7FFFFFFF  }
0xc9: {  	_ =	shalt  }
tec
execute0_lowered:
.L_overlay_start_1:
0x0: {  	(tag) =	ssettag $0x1  }
0x1: {  	s4 =	rddreg [dreg:$0x0]  }
0x2: {  	s5 =	rddreg [dreg:$0x1]  }
0x3: {  	s0 =	rddreg [dreg:$0x2];
	s2 =	simm.s32 $0x0  }
0x4: {  	s1 =	stileid.u32;
	s3 =	srdreg.scid;
	s10 =	simm.s32 $0x1C00  }
0x5: {  	s11 =	simm.s32 $0x2400;
	s12 =	simm.s32 $0x2C00;
	s13 =	simm.s32 $0x1  }
0x6: {  	s14 =	simm.s32 $0x2;
	s15 =	simm.s32 $0x3;
	s16 =	simm.s32 $0x4  }
0x7: {  	[smem:$0x7FF] =	sst s2;
	s6 =	smul.u32 $0x28, s1;
	s3 =	sand.u32 $0x1, s3  }
0x8: {  	s17 =	simm.s32 $0x0;
	_ =	strace $0x80000047;
	s8 =	ssub.s32 $0x2, s3  }
0x9: {  	p0 =	seq.s32 s3, $0x0;
	s7 =	sadd.s32 $0x280, s6;
	s30 =	sshrl.u32 s8, $0x1  }
0xa: {  	s3 =	sadd.s32 $0x2A00, s4;
	s7 =	smov.u32 @p0 s6;
	s6 =	ssub.s32 s8, s30  }
0xb: {  	s8 =	simm.s32 $0x80;
	s9 =	sshll.u32 s7, $0x8;
	s7 =	sshll.u32 s7, $0x4  }
0xc: {  	s31 =	sadd.s32 s9, s4;
	s4 =	sadd.s32 s5, s7;
	s5 =	smax.u32 s6, $0x1  }
0xd: {  	s7 =	simm.s32 $0x5;
	s9 =	simm.s32 $0x1400;
	s6 =	sadd.s32 $0x7A00, s31  }
.LBB2_1:
0xe: {  	[tilespmem:s2], [sflag:$0x5] =	stream.linear.gather [hbm4b:s4+s2], $0x1400, $0x38;
	[tilespmem:$0x3400] =	vst v63  }
0xf: {  	_ =	swait.ge [sflag:s7], $0x1400  }
0x10: {  	[sflag:s7] =	ssyncset.done $0x0  }
0x11: {  	s18 =	simm.s32 $0x0;
	[sflag:s7] =	ssyncadd.s32 $0xFFFFEC00  }
0x12: {  	[tilespmem:s9], [sflag:$0x1] =	stream.indirect.gather [hbm4b:s3+s8], $0x10, s18, s8, $0xb8;
	[tilespmem:$0x3400] =	vst v63  }
0x13: {  	s26 =	simm.s32 $0x80  }
0x14: {  	[tilespmem:s10], [sflag:$0x2] =	stream.indirect.gather [hbm4b:s3+s8], $0x10, s26, s8, $0xb8;
	[tilespmem:$0x3400] =	vst v63  }
0x15: {  	s28 =	simm.s32 $0x100  }
0x16: {  	[tilespmem:s11], [sflag:$0x3] =	stream.indirect.gather [hbm4b:s3+s8], $0x10, s28, s8, $0xb8;
	[tilespmem:$0x3400] =	vst v63  }
0x17: {  	s29 =	simm.s32 $0x180  }
0x18: {  	[tilespmem:s12], [sflag:$0x4] =	stream.indirect.gather [hbm4b:s3+s8], $0x10, s29, s8, $0xb8;
	[tilespmem:$0x3400] =	vst v63  }
0x19: {  	_ =	swait.ge [sflag:s13], $0x800  }
0x1a: {  	[sflag:s13] =	ssyncset.done $0x0  }
0x1b: {  	s30 =	sadd.s32 $0x0, s6;
	[sflag:s13] =	ssyncadd.s32 $0xFFFFF800  }
0x1c: {  	[hbm4b:s30+s2] =	stream.linear.scatter [tilespmem:s9], [sflag:$0x5], $0x800, $0x38;
	[tilespmem:$0x3400] =	vst v63  }
0x1d: {  	_ =	swait.ge [sflag:s7], $0x800  }
0x1e: {  	[sflag:s7] =	ssyncset.done $0x0  }
0x1f: {  	[sflag:s7] =	ssyncadd.s32 $0xFFFFF800  }
0x20: {  	_ =	swait.ge [sflag:s14], $0x800  }
0x21: {  	[sflag:s14] =	ssyncset.done $0x0  }
0x22: {  	s19 =	sadd.s32 $0x100, s30;
	[sflag:s14] =	ssyncadd.s32 $0xFFFFF800  }
0x23: {  	[hbm4b:s19+s2] =	stream.linear.scatter [tilespmem:s10], [sflag:$0x5], $0x800, $0x38;
	[tilespmem:$0x3400] =	vst v63  }
0x24: {  	_ =	swait.ge [sflag:s7], $0x800  }
0x25: {  	[sflag:s7] =	ssyncset.done $0x0  }
0x26: {  	[sflag:s7] =	ssyncadd.s32 $0xFFFFF800  }
0x27: {  	_ =	swait.ge [sflag:s15], $0x800  }
0x28: {  	[sflag:s15] =	ssyncset.done $0x0  }
0x29: {  	s31 =	sadd.s32 $0x200, s30;
	[sflag:s15] =	ssyncadd.s32 $0xFFFFF800  }
0x2a: {  	[hbm4b:s31+s2] =	stream.linear.scatter [tilespmem:s11], [sflag:$0x5], $0x800, $0x38;
	[tilespmem:$0x3400] =	vst v63  }
0x2b: {  	_ =	swait.ge [sflag:s7], $0x800  }
0x2c: {  	[sflag:s7] =	ssyncset.done $0x0  }
0x2d: {  	[sflag:s7] =	ssyncadd.s32 $0xFFFFF800  }
0x2e: {  	_ =	swait.ge [sflag:s16], $0x800  }
0x2f: {  	[sflag:s16] =	ssyncset.done $0x0  }
0x30: {  	s18 =	sadd.s32 $0x300, s30;
	[sflag:s16] =	ssyncadd.s32 $0xFFFFF800  }
0x31: {  	[hbm4b:s18+s2] =	stream.linear.scatter [tilespmem:s12], [sflag:$0x5], $0x800, $0x38;
	[tilespmem:$0x3400] =	vst v63  }
0x32: {  	s20 =	simm.s32 $0x800;
	_ =	swait.ge [sflag:s7], $0x800  }
0x33: {  	s19 =	simm.s32 $0x380;
	s18 =	simm.s32 $0x400;
	[sflag:s7] =	ssyncset.done $0x0  }
.LBB2_2:
0x34: {  	p0 =	sne.s32 s20, $0x2400;
	s21 =	sadd.s32 $0xFFFFFE80, s19;
	[sflag:s7] =	ssyncadd.s32 $0xFFFFF800  }
0x35: {  	[tilespmem:s9], [sflag:$0x1] =	stream.indirect.gather [hbm4b:s3+s8], $0x10, s21, s8, $0xb8;
	[tilespmem:$0x3400] =	vst v63  }
0x36: {  	s22 =	smov.u32 s20;
	s20 =	sadd.s32 $0x400, s20;
	s21 =	sadd.s32 $0xFFFFFF00, s19  }
0x37: {  	[tilespmem:s10], [sflag:$0x2] =	stream.indirect.gather [hbm4b:s3+s8], $0x10, s21, s8, $0xb8;
	[tilespmem:$0x3400] =	vst v63  }
0x38: {  	s21 =	sadd.s32 $0xFFFFFF80, s19  }
0x39: {  	[tilespmem:s11], [sflag:$0x3] =	stream.indirect.gather [hbm4b:s3+s8], $0x10, s21, s8, $0xb8;
	[tilespmem:$0x3400] =	vst v63  }
0x3a: {  	_ = 	snop  }
0x3b: {  	[tilespmem:s12], [sflag:$0x4] =	stream.indirect.gather [hbm4b:s3+s8], $0x10, s19, s8, $0xb8;
	[tilespmem:$0x3400] =	vst v63  }
0x3c: {  	_ =	swait.ge [sflag:s13], $0x800  }
0x3d: {  	[sflag:s13] =	ssyncset.done $0x0  }
0x3e: {  	s21 =	sadd.s32 s18, s6;
	s18 =	smov.u32 s22;
	[sflag:s13] =	ssyncadd.s32 $0xFFFFF800  }
0x3f: {  	[hbm4b:s21+s2] =	stream.linear.scatter [tilespmem:s9], [sflag:$0x5], $0x800, $0x38;
	[tilespmem:$0x3400] =	vst v63  }
0x40: {  	_ =	swait.ge [sflag:s7], $0x800  }
0x41: {  	[sflag:s7] =	ssyncset.done $0x0  }
0x42: {  	[sflag:s7] =	ssyncadd.s32 $0xFFFFF800  }
0x43: {  	_ =	swait.ge [sflag:s14], $0x800  }
0x44: {  	[sflag:s14] =	ssyncset.done $0x0  }
0x45: {  	s22 =	sadd.s32 $0x100, s21;
	[sflag:s14] =	ssyncadd.s32 $0xFFFFF800  }
0x46: {  	[hbm4b:s22+s2] =	stream.linear.scatter [tilespmem:s10], [sflag:$0x5], $0x800, $0x38;
	[tilespmem:$0x3400] =	vst v63  }
0x47: {  	_ =	swait.ge [sflag:s7], $0x800  }
0x48: {  	[sflag:s7] =	ssyncset.done $0x0  }
0x49: {  	[sflag:s7] =	ssyncadd.s32 $0xFFFFF800  }
0x4a: {  	_ =	swait.ge [sflag:s15], $0x800  }
0x4b: {  	[sflag:s15] =	ssyncset.done $0x0  }
0x4c: {  	s22 =	sadd.s32 $0x200, s21;
	[sflag:s15] =	ssyncadd.s32 $0xFFFFF800  }
0x4d: {  	[hbm4b:s22+s2] =	stream.linear.scatter [tilespmem:s11], [sflag:$0x5], $0x800, $0x38;
	[tilespmem:$0x3400] =	vst v63  }
0x4e: {  	_ =	swait.ge [sflag:s7], $0x800  }
0x4f: {  	[sflag:s7] =	ssyncset.done $0x0  }
0x50: {  	[sflag:s7] =	ssyncadd.s32 $0xFFFFF800  }
0x51: {  	_ =	swait.ge [sflag:s16], $0x800  }
.Ltmp0:
0x52: {  	[sflag:s16] =	ssyncset.done $0x0;
	(pc) =	sbr.rel @p0 .LBB2_2-.Ltmp0, $4  }
0x53: {  	s21 =	sadd.s32 $0x300, s21;
	[sflag:s16] =	ssyncadd.s32 $0xFFFFF800  }
0x54: {  	[hbm4b:s21+s2] =	stream.linear.scatter [tilespmem:s12], [sflag:$0x5], $0x800, $0x38;
	[tilespmem:$0x3400] =	vst v63  }
0x55: {  	_ =	swait.ge [sflag:s7], $0x800  }
0x56: {  	s19 =	sadd.s32 $0x200, s19;
	[sflag:s7] =	ssyncset.done $0x0  }
0x57: {  	s20 =	sadd.s32 $0xFFFFFE80, s19;
	[sflag:s7] =	ssyncadd.s32 $0xFFFFF800  }
0x58: {  	[tilespmem:s9], [sflag:$0x1] =	stream.indirect.gather [hbm4b:s3+s8], $0x10, s20, s8, $0xb8;
	[tilespmem:$0x3400] =	vst v63  }
0x59: {  	s28 =	sadd.s32 $0xFFFFFF00, s19  }
0x5a: {  	[tilespmem:s10], [sflag:$0x2] =	stream.indirect.gather [hbm4b:s3+s8], $0x10, s28, s8, $0xb8;
	[tilespmem:$0x3400] =	vst v63  }
0x5b: {  	s29 =	sadd.s32 $0xFFFFFF80, s19  }
0x5c: {  	[tilespmem:s11], [sflag:$0x3] =	stream.indirect.gather [hbm4b:s3+s8], $0x10, s29, s8, $0xb8;
	[tilespmem:$0x3400] =	vst v63  }
0x5d: {  	_ = 	snop  }
0x5e: {  	[tilespmem:s12], [sflag:$0x4] =	stream.indirect.gather [hbm4b:s3+s8], $0x10, s19, s8, $0xb8;
	[tilespmem:$0x3400] =	vst v63  }
0x5f: {  	_ =	swait.ge [sflag:s13], $0x800  }
0x60: {  	[sflag:s13] =	ssyncset.done $0x0  }
0x61: {  	s18 =	sadd.s32 s18, s6;
	[sflag:s13] =	ssyncadd.s32 $0xFFFFF800  }
0x62: {  	[hbm4b:s18+s2] =	stream.linear.scatter [tilespmem:s9], [sflag:$0x5], $0x800, $0x38;
	[tilespmem:$0x3400] =	vst v63  }
0x63: {  	_ =	swait.ge [sflag:s7], $0x800  }
0x64: {  	[sflag:s7] =	ssyncset.done $0x0  }
0x65: {  	[sflag:s7] =	ssyncadd.s32 $0xFFFFF800  }
0x66: {  	_ =	swait.ge [sflag:s14], $0x800  }
0x67: {  	[sflag:s14] =	ssyncset.done $0x0  }
0x68: {  	s30 =	sadd.s32 $0x100, s18;
	[sflag:s14] =	ssyncadd.s32 $0xFFFFF800  }
0x69: {  	[hbm4b:s30+s2] =	stream.linear.scatter [tilespmem:s10], [sflag:$0x5], $0x800, $0x38;
	[tilespmem:$0x3400] =	vst v63  }
0x6a: {  	_ =	swait.ge [sflag:s7], $0x800  }
0x6b: {  	[sflag:s7] =	ssyncset.done $0x0  }
0x6c: {  	[sflag:s7] =	ssyncadd.s32 $0xFFFFF800  }
0x6d: {  	_ =	swait.ge [sflag:s15], $0x800  }
0x6e: {  	[sflag:s15] =	ssyncset.done $0x0  }
0x6f: {  	s31 =	sadd.s32 $0x200, s18;
	[sflag:s15] =	ssyncadd.s32 $0xFFFFF800  }
0x70: {  	[hbm4b:s31+s2] =	stream.linear.scatter [tilespmem:s11], [sflag:$0x5], $0x800, $0x38;
	[tilespmem:$0x3400] =	vst v63  }
0x71: {  	_ =	swait.ge [sflag:s7], $0x800  }
0x72: {  	[sflag:s7] =	ssyncset.done $0x0  }
0x73: {  	[sflag:s7] =	ssyncadd.s32 $0xFFFFF800  }
0x74: {  	s17 =	sadd.s32 $0x1, s17;
	_ =	swait.ge [sflag:s16], $0x800  }
0x75: {  	p0 =	sne.s32 s17, s5;
	[sflag:s16] =	ssyncset.done $0x0  }
.Ltmp1:
0x76: {  	s18 =	sadd.s32 $0x300, s18;
	[sflag:s16] =	ssyncadd.s32 $0xFFFFF800;
	(pc) =	sbr.rel @p0 .LBB2_1-.Ltmp1, $4  }
0x77: {  	[hbm4b:s18+s2] =	stream.linear.scatter [tilespmem:s12], [sflag:$0x5], $0x800, $0x38;
	[tilespmem:$0x3400] =	vst v63  }
0x78: {  	_ =	swait.ge [sflag:s7], $0x800  }
0x79: {  	[sflag:s7] =	ssyncset.done $0x0  }
0x7a: {  	[sflag:s7] =	ssyncadd.s32 $0xFFFFF800  }
0x7b: {  	_ =	sfence.sel $0x180000  }
0x7c: {  	[bflag:$0x0] =	sbarrier.arrive $0xFFFF  }
0x7d: {  	p0 =	sne.s32 s1, $0x0;
	_ =	strace $0x90000047  }
0x7e: {  	s0 =	sadd.s32 @!p0 $0x100000, s0;
	[bflag:$0x2] =	sbarrier.arrive $0xFFFF  }
0x7f: {  	[sflag:s0] =	ssyncadd.tile.s32 @!p0 $0x1;
	_ =	shalt  }
.Lfunc_end2:
_tile_overlayer_lowered:
.L_overlay_start_2:
0x80: {  	(tag) =	ssettag $0x2  }
0x81: {  	s0 =	rddreg [dreg:$0x0];
	s2 =	stileid.u32  }
0x82: {  	s1 =	rddreg [dreg:$0x1];
	p0 =	sne.s32 s2, $0x0  }
0x83: {  	s3 =	rddreg [dreg:$0x2];
	[bflag:$0x3] =	sbarrier.arrive $0xFFFF;
	s2 =	simm.s32 @!p0 $0x1C05  }
0x84: {  	[timem:s3], [sflag:s2] =	dma.local @!p0 [hbm:s0], s1  }
0x85: {  	s0 =	simm.s32 @!p0 $0x5  }
0x86: {  	_ =	swait.ge @!p0 [sflag:s0], s1  }
0x87: {  	s1 =	ssub.s32 @!p0 $0x0, s1;
	[sflag:s0] =	ssyncset.done @!p0 $0x0  }
0x88: {  	[sflag:s0] =	ssyncadd.s32 @!p0 s1  }
0x89: {  	[bflag:$0x3] =	sbarrier.arrive $0xFFFF  }
0x8a: {  	_ =	shalt  }

// kernel: kernel.9.cloned.1.call-start
scs
__scs_entry_jumppad:
0x0: {  	(pc) =	sbr.rel $0x88, $3  }
0x1: {  	(tag) =	ssettag $0x0;
	lr =	simm.s32 $0x1  }
0x2: {  	[smem:$0x3F94] =	sst lr;
	_ =	strace $0xD0000000  }
0x3: {  	_ = 	snop  }
0x4: {  	_ = 	snop  }
0x5: {  	_ = 	snop  }
0x6: {  	_ = 	snop  }
0x7: {  	_ = 	snop  }
__scs_overlays_trampoline_lowered:
0x8: {  	[smem:$0x3FA3] =	sst s0  }
0x9: {  	[smem:$0x3FA4] =	sst s1  }
0xa: {  	[smem:$0x3FA5] =	sst s2  }
0xb: {  	[smem:$0x3FA6] =	sst s3  }
0xc: {  	[smem:$0x3FA7] =	sst s4  }
0xd: {  	[smem:$0x3FA8] =	sst s5  }
0xe: {  	[smem:$0x3FA9] =	sst s6  }
0xf: {  	[smem:$0x3FAA] =	sst s7  }
0x10: {  	[smem:$0x3FAB] =	sst s8  }
0x11: {  	[smem:$0x3FAC] =	sst s9;
	s0 =	simm.s32 @!p0 $0x0  }
0x12: {  	s1 =	sld [smem:$0x3F92];
	s0 =	simm.s32 @p0 $0x1  }
0x13: {  	[smem:$0x3FAD] =	sst s0;
	s0 =	simm.s32 @!p1 $0x0  }
0x14: {  	s2 =	sld [smem:$0x3F91];
	s0 =	simm.s32 @p1 $0x1  }
0x15: {  	[smem:$0x3FAE] =	sst s0;
	s0 =	simm.s32 @!p2 $0x0  }
0x16: {  	s3 =	sld [smem:$0x3FDB];
	s0 =	simm.s32 @p2 $0x1  }
0x17: {  	s4 =	simm.s32 $0x1BF5;
	[smem:$0x3FB0] =	sst s0  }
0x18: {  	s0 =	sld [smem:$0x3F93];
	_ =	swait.ge [sflag:s4], $0x0  }
0x19: {  	s7 =	sld [smem:$0x3F94]  }
0x1a: {  	s8 =	sadd.s32 $0xFFFFE003, lr  }
0x1b: {  	s9 =	sadd.s32 $0xFFFFFEF7, lr;
	s5 =	simm.s32 $0xFFFFFFFF;
	p2 =	slt.u32 s8, $0xFFFFF086  }
0x1c: {  	p1 =	slt.u32 s9, $0xF7A;
	s5 =	simm.s32 @!p2 $0x0  }
0x1d: {  	s5 =	simm.s32 @p1 $0x1;
	p0 =	seq.s32 s7, s2  }
0x1e: {  	s7 =	smul.u32 @!p0 $0xF7A, s2;
	p2 =	seq.s32 @!p0 s5, $0x0  }
0x1f: {  	s9 =	smul.u32 $0xF7A, s1;
	s8 =	simm.s32 @!p0 $0x1BF5;
	p2 =	por !p2, p0  }
0x20: {  	[sflag:s8] =	ssyncset.s32 @!p0 $0xFFFFF086;
	s6 =	sadd.s32 @!p0 s3, s7;
	s7 =	simm.s32 @!p0 $0x108  }
0x21: {  	s3 =	sadd.s32 s3, s9;
	s6 =	sadd.s32 @!p0 $0x88, s6;
	s7 =	simm.s32 @p2 $0x1082  }
0x22: {  	[simem:s7], [sflag:s8] =	dma.local @!p0 [hbm:s6], $0xF7A  }
0x23: {  	s9 =	sor.u32 $0xD0000000, s2;
	s6 =	simm.s32 $0x108;
	_ =	swait.ge @!p0 [sflag:s8], $0x0  }
0x24: {  	s3 =	sadd.s32 $0x88, s3;
	s6 =	simm.s32 @!p1 $0x1082;
	[sflag:s4] =	ssyncset.s32 $0xFFFFF086  }
0x25: {  	[simem:s6], [sflag:s4] =	dma.local [hbm:s3], $0xF7A  }
0x26: {  	[smem:$0x3F94] =	sst s1;
	(tag) =	ssettag s2;
	_ =	strace s9  }
0x27: {  	s1 =	sld [smem:$0x3FA4]  }
0x28: {  	s2 =	sld [smem:$0x3FA5]  }
0x29: {  	s4 =	sld [smem:$0x3FA7]  }
0x2a: {  	p0 =	seq.s32 s5, $0x0;
	s5 =	sld [smem:$0x3FA8]  }
0x2b: {  	s6 =	sld [smem:$0x3FA9]  }
0x2c: {  	s7 =	sld [smem:$0x3FAA]  }
0x2d: {  	s3 =	simm.s32 $0x108;
	s8 =	sld [smem:$0x3FAB]  }
0x2e: {  	s3 =	simm.s32 @!p0 $0x1082;
	s9 =	sld [smem:$0x3FAC]  }
0x2f: {  	lr =	sadd.s32 s0, s3;
	s0 =	sld [smem:$0x3FA3]  }
0x30: {  	s3 =	sld [smem:$0x3FA6]  }
0x31: {  	[smem:$0x3FAF] =	sst s10  }
0x32: {  	s10 =	sld [smem:$0x3FAD];
	_ =	sdelay $0x3  }
0x33: {  	p0 =	seq.s32 s10, $0x1;
	s10 =	sld [smem:$0x3FAF];
	_ =	sdelay $0x3  }
0x34: {  	[smem:$0x3FAF] =	sst s10  }
0x35: {  	s10 =	sld [smem:$0x3FAE];
	_ =	sdelay $0x3  }
0x36: {  	p1 =	seq.s32 s10, $0x1;
	s10 =	sld [smem:$0x3FAF];
	_ =	sdelay $0x3  }
0x37: {  	[smem:$0x3FAF] =	sst s10  }
0x38: {  	s10 =	sld [smem:$0x3FB0]  }
0x39: {  	_ = 	snop;
	(pc) =	sbr.ind lr, $3  }
0x3a: {  	_ = 	snop  }
0x3b: {  	_ = 	snop  }
0x3c: {  	p2 =	seq.s32 s10, $0x1;
	s10 =	sld [smem:$0x3FAF]  }
0x3d: {  	_ =	shalt  }
0x3e: {  	_ =	shalt  }
0x3f: {  	_ =	shalt  }
0x40: {  	_ =	shalt  }
0x41: {  	_ =	shalt  }
0x42: {  	_ =	shalt  }
0x43: {  	_ =	shalt  }
0x44: {  	_ =	shalt  }
0x45: {  	_ =	shalt  }
0x46: {  	_ =	shalt  }
0x47: {  	_ =	shalt  }
0x48: {  	_ =	shalt  }
0x49: {  	_ =	shalt  }
0x4a: {  	_ =	shalt  }
0x4b: {  	_ =	shalt  }
0x4c: {  	_ =	shalt  }
0x4d: {  	_ =	shalt  }
0x4e: {  	_ =	shalt  }
0x4f: {  	_ =	shalt  }
0x50: {  	_ =	shalt  }
0x51: {  	_ =	shalt  }
0x52: {  	_ =	shalt  }
0x53: {  	_ =	shalt  }
0x54: {  	_ =	shalt  }
0x55: {  	_ =	shalt  }
0x56: {  	_ =	shalt  }
0x57: {  	_ =	shalt  }
0x58: {  	_ =	shalt  }
0x59: {  	_ =	shalt  }
0x5a: {  	_ =	shalt  }
0x5b: {  	_ =	shalt  }
0x5c: {  	_ =	shalt  }
0x5d: {  	_ =	shalt  }
0x5e: {  	_ =	shalt  }
0x5f: {  	_ =	shalt  }
0x60: {  	_ =	shalt  }
0x61: {  	_ =	shalt  }
0x62: {  	_ =	shalt  }
0x63: {  	_ =	shalt  }
0x64: {  	_ =	shalt  }
0x65: {  	_ =	shalt  }
0x66: {  	_ =	shalt  }
0x67: {  	_ =	shalt  }
0x68: {  	_ =	shalt  }
0x69: {  	_ =	shalt  }
0x6a: {  	_ =	shalt  }
0x6b: {  	_ =	shalt  }
0x6c: {  	_ =	shalt  }
0x6d: {  	_ =	shalt  }
0x6e: {  	_ =	shalt  }
0x6f: {  	_ =	shalt  }
0x70: {  	_ =	shalt  }
0x71: {  	_ =	shalt  }
0x72: {  	_ =	shalt  }
0x73: {  	_ =	shalt  }
0x74: {  	_ =	shalt  }
0x75: {  	_ =	shalt  }
0x76: {  	_ =	shalt  }
0x77: {  	_ =	shalt  }
0x78: {  	_ =	shalt  }
0x79: {  	_ =	shalt  }
0x7a: {  	_ =	shalt  }
0x7b: {  	_ =	shalt  }
0x7c: {  	_ =	shalt  }
0x7d: {  	_ =	shalt  }
0x7e: {  	_ =	shalt  }
0x7f: {  	_ =	shalt  }
0x80: {  	_ =	shalt  }
0x81: {  	_ =	shalt  }
0x82: {  	_ =	shalt  }
0x83: {  	_ =	shalt  }
0x84: {  	_ =	shalt  }
0x85: {  	_ =	shalt  }
0x86: {  	_ =	shalt  }
0x87: {  	_ =	shalt  }
.Lfunc_end0:
.L_simem_size_0:
called_computation.1_lowered:
.L_overlay_start_0:
0x88: {  	s2 =	sld [smem:$0x3FD9]  }
0x89: {  	s3 =	sld [smem:$0x3FFE];
	_ =	sdelay $0x1  }
0x8a: {  	s1 =	srdreg.scid  }
0x8b: {  	s0 =	sand.u32 $0x1, s1  }
0x8c: {  	s14 =	sshll.u32 s0, $0xA;
	s2 =	sadd.s32 s3, s2  }
0x8d: {  	s2 =	sadd.s32 s2, s14  }
0x8e: {  	[smem:$0x3FBB] =	sst s2  }
0x8f: {  	_ = 	snop  }
0x90: {  	s2 =	sld [smem:$0x3FD0];
	_ =	sdelay $0x2  }
0x91: {  	s15 =	simm.s32 $0xA;
	s4 =	simm.s32 $0x10  }
0x92: {  	[smem:s4], [sflag:s15] =	dma.local [hbm:s2], $0x1  }
0x93: {  	_ =	swait.eq [sflag:s15], $0x1  }
0x94: {  	[sflag:s15] =	ssyncset.done $0x0  }
0x95: {  	s16 =	sld [smem:$0x10];
	[sflag:s15] =	ssyncadd.s32 $0xFFFFFFFF  }
0x96: {  	s17 =	sld [smem:$0x11];
	(tm) =	ssettm $0x1  }
0x97: {  	s18 =	sld [smem:$0x3FFB];
	_ =	sdelay $0x3  }
0x98: {  	_ =	strace s18  }
0x99: {  	s4 =	sld [smem:$0x3FFC];
	_ =	sdelay $0x3  }
0x9a: {  	_ =	strace s4  }
0x9b: {  	s4 =	sld [smem:$0x3FFD];
	_ =	sdelay $0x3  }
0x9c: {  	_ =	strace s4  }
0x9d: {  	_ =	strace $0x8FFFFFFF  }
0x9e: {  	s19 =	sld [smem:$0x3FDB];
	_ =	sdelay $0x1  }
0x9f: {  	s5 =	simm.s32 $_scs_section_size  }
0xa0: {  	s6 =	simm.s32 $_size__tile_overlayer_lowered;
	s7 =	simm.s32 $_tile_overlayer_lowered  }
0xa1: {  	s22 =	simm.s32 $0x1BFF;
	s21 =	sshll.u32 s7, $0x1;
	s4 =	sadd.s32 s5, s19  }
0xa2: {  	s8 =	simm.s32 $0x0;
	s20 =	sshll.u32 s6, $0x1;
	s6 =	sadd.s32 s21, s4  }
0xa3: {  	[timem:s8], [sflag:s22] =	dma.local [hbm:s6], s20  }
0xa4: {  	_ =	swait.ge [sflag:s22], s20  }
0xa5: {  	s5 =	ssub.s32 $0x0, s20;
	[sflag:s22] =	ssyncset.done $0x0  }
0xa6: {  	[sflag:s22] =	ssyncadd.s32 s5;
	_ =	sdelay $0x1  }
0xa7: {  	s23 =	simm.s32 $0x1B8B  }
0xa8: {  	_ =	swait.ge [sflag:s23], $0x1  }
0xa9: {  	[sflag:s23] =	ssyncset.done $0x0  }
0xaa: {  	s25 =	simm.s32 $0x1B8E;
	s24 =	sld [smem:$0x3FFE];
	[sflag:s23] =	ssyncadd.s32 $0xFFFFFFFF  }
0xab: {  	s26 =	simm.s32 $execute0_lowered;
	[smem:$0x3FD2] =	sst s25  }
0xac: {  	s6 =	sshll.u32 s26, $0x1;
	_ =	strace $0x80000049;
	[dreg:$0x1] =	wrdreg $0xFFFFFFFF  }
0xad: {  	s28 =	simm.s32 $_size_execute0_lowered;
	s4 =	sadd.s32 s4, s6;
	[dreg:$0x0] =	wrdreg $0x0  }
0xae: {  	s6 =	sshll.u32 s28, $0x1;
	[dreg:$0x2] =	wrdreg s4  }
0xaf: {  	[dreg:$0x3] =	wrdreg s6  }
0xb0: {  	[dreg:$0x4] =	wrdreg $0xC0  }
0xb1: {  	_ =	task [dreg:s8], $0x5FFFF  }
0xb2: {  	[dreg:$0x1] =	wrdreg $0xFFFFFFFF  }
0xb3: {  	[dreg:$0x0] =	wrdreg $0x60  }
0xb4: {  	[dreg:$0x2] =	wrdreg s24  }
0xb5: {  	[dreg:$0x3] =	wrdreg s16  }
0xb6: {  	[dreg:$0x4] =	wrdreg s17  }
0xb7: {  	[dreg:$0x5] =	wrdreg $0x5C000  }
0xb8: {  	[dreg:$0x6] =	wrdreg $0xD9000  }
0xb9: {  	[dreg:$0x7] =	wrdreg $0x9  }
0xba: {  	_ =	task.clear_ibuf [dreg:s8], $0x8FFFF;
	_ =	strace $0x90000049  }
0xbb: {  	s29 =	simm.s32 $0x9;
	_ =	strace $0x8000004B  }
0xbc: {  	_ =	swait.ge [sflag:s29], $0x1  }
0xbd: {  	[sflag:s29] =	ssyncadd.s32 $0xFFFFFFFF  }
0xbe: {  	_ =	strace $0x9000004B  }
0xbf: {  	_ =	sfence  }
0xc0: {  	s30 =	sld [smem:$0x0];
	_ =	sdelay $0x2  }
0xc1: {  	s31 =	sshll.u32 s1, $0xD;
	s1 =	sshrl.u32 s1, $0x2  }
0xc2: {  	s3 =	sand.u32 $0x4000, s31;
	s1 =	sadd.s32 s1, s30  }
0xc3: {  	s0 =	sor.u32 s3, s0;
	s1 =	sshll.u32 s1, $0x11  }
0xc4: {  	s0 =	sor.u32 s1, s0  }
0xc5: {  	s0 =	sadd.s32 $0x8F2B, s0  }
0xc6: {  	[sflag:s0] =	ssyncadd.remote.s32 $0x1  }
0xc7: {  	_ =	sfence.sel $0xFFFF  }
0xc8: {  	[dreg:$0x0] =	wrdreg $0xFFFFFFFF;
	(pc) =	sbr.abs _section_cstart, $3  }
0xc9: {  	[dreg:$0x1] =	wrdreg $0xFFFFFFFF  }
0xca: {  	_ =	task.clear_ibuf [dreg:s8], $0x2FFFF;
	_ =	strace $0x9FFFFFFF  }
0xcb: {  	(tm) =	ssettm $0x7FFFFFFF  }
tec
execute0_lowered:
.L_overlay_start_1:
0x0: {  	(tag) =	ssettag $0x1  }
0x1: {  	s0 =	rddreg [dreg:$0x0]  }
0x2: {  	s1 =	rddreg [dreg:$0x1]  }
0x3: {  	s3 =	rddreg [dreg:$0x3];
	s14 =	stileid.u32  }
0x4: {  	s2 =	srdreg.scid;
	s4 =	rddreg [dreg:$0x4];
	s5 =	simm.s32 $0x0  }
0x5: {  	s16 =	simm.s32 $0x1400;
	s17 =	simm.s32 $0x2400;
	s18 =	simm.s32 $0x3400  }
0x6: {  	s28 =	simm.s32 $0x6;
	s29 =	simm.s32 $0x7;
	s6 =	smul.u32 $0x3E8, s14  }
0x7: {  	s30 =	simm.s32 $0x8;
	s31 =	simm.s32 $0x0;
	s8 =	smul.u32 $0xA000, s14  }
0x8: {  	s2 =	sand.u32 $0x1, s2;
	[smem:$0x7FF] =	sst s5;
	s11 =	smul.u32 $0x1F400, s14  }
0x9: {  	s20 =	sadd.s32 $0xA2A00, s0;
	s22 =	sshll.u32 s14, $0x1;
	s13 =	smul.u32 $0xFA00, s14  }
0xa: {  	s24 =	sshll.u32 s14, $0x6;
	s14 =	simm.s32 $0x9;
	s7 =	smul.u32 $0x3E80, s2  }
0xb: {  	_ =	strace $0x8000004A;
	[dreg:$0x6] =	wrdreg s20;
	s21 =	ssub.s32 $0x2, s2  }
0xc: {  	s20 =	simm.s32 $0x1;
	s10 =	sadd.s32 s8, s0;
	s12 =	sshrl.u32 s21, $0x1  }
0xd: {  	s8 =	sor.u32 s2, s22;
	s23 =	sshrl.u32 s11, $0x2;
	s13 =	sshrl.u32 s13, $0x2  }
0xe: {  	s2 =	smul.u32 $0x5000, s2;
	s22 =	simm.s32 $0x5400;
	s6 =	sadd.s32 s6, s7  }
0xf: {  	s12 =	ssub.s32 s21, s12;
	s8 =	smul.u32 $0x280, s8;
	s25 =	sadd.s32 s23, s3  }
0x10: {  	s15 =	sadd.s32 s13, s4;
	s21 =	simm.s32 $0x80;
	s23 =	simm.s32 $0x2  }
0x11: {  	s7 =	sshll.u32 s6, $0x2;
	s19 =	sshll.u32 s6, $0x1;
	s26 =	sadd.s32 s2, s10  }
0x12: {  	s11 =	smax.u32 s12, $0x1;
	s13 =	sshrl.u32 s25, $0x3;
	s15 =	sshrl.u32 s15, $0x3  }
0x13: {  	s25 =	simm.s32 $0x4;
	s9 =	sadd.s32 s7, s0;
	s0 =	sadd.s32 s19, s0  }
0x14: {  	s7 =	sor.u32 $0x1C09, s24;
	s1 =	sadd.s32 s1, s8;
	s12 =	sadd.s32 $0x2A00, s26  }
0x15: {  	s19 =	simm.s32 $0x4400;
	s24 =	simm.s32 $0x3;
	s26 =	simm.s32 $0x5  }
0x16: {  	v0 =	vimm.f32 $1.000000000e+00;
	[dreg:$0x7] =	wrdreg s1;
	s9 =	sadd.s32 $0xB2C00, s9;
	s10 =	sadd.s32 $0xA3200, s0  }
.LBB2_1:
0x17: {  	s0 =	simm.s32 $0x40;
	s1 =	simm.s32 $0x0  }
.LBB2_2:
0x18: {  	p0 =	sne.s32 s0, $0x1FC0;
	[tilespmem:s1+$0x5400] =	vst v0;
	s1 =	smov.u32 s0;
	s0 =	sadd.s32 $0x40, s0  }
.Ltmp0:
0x19: {  	(pc) =	sbr.rel @p0 .LBB2_2-.Ltmp0, $2  }
0x1a: {  	_ =	sdelay $0x2  }
0x1b: {  	s1 =	sshra.s32 s1, $0x2  }
0x1c: {  	[tilespmem:s1+$0x5400] =	vst v0;
	s0 =	rddreg [dreg:$0x2]  }
0x1d: {  	[spmem:s13], [sflag:s7] =	dma.local [hbm:s0], $0xFA0  }
0x1e: {  	_ =	swait.ge [sflag:s14], $0xFA0  }
0x1f: {  	[sflag:s14] =	ssyncset.done $0x0  }
0x20: {  	s2 =	rddreg [dreg:$0x6];
	[sflag:s14] =	ssyncadd.s32 $0xFFFFF060  }
0x21: {  	[spmem:s15], [sflag:s7] =	dma.local [hbm:s2], $0x7D0  }
0x22: {  	_ =	swait.ge [sflag:s14], $0x7D0  }
0x23: {  	[sflag:s14] =	ssyncset.done $0x0  }
0x24: {  	s6 =	simm.s32 $0x0;
	s8 =	rddreg [dreg:$0x7];
	[sflag:s14] =	ssyncadd.s32 $0xFFFFF830  }
0x25: {  	[tilespmem:s6], [sflag:$0x9] =	stream.linear.gather [hbm4b:s8+s6], $0x1400, $0x38;
	[tilespmem:$0x11780] =	vst v63  }
0x26: {  	_ =	swait.ge [sflag:s14], $0x1400  }
0x27: {  	[sflag:s14] =	ssyncset.done $0x0  }
0x28: {  	[sflag:s14] =	ssyncadd.s32 $0xFFFFEC00  }
0x29: {  	s2 =	sadd.s32 $0x0, s12;
	[bflag:$0x0] =	sbarrier.arrive $0xFFFF  }
0x2a: {  	[tilespmem:s16], [sflag:$0x1] =	stream.linear.gather [hbm4b:s2+s5], $0x1000, $0x38;
	[tilespmem:$0x11780] =	vst v63  }
0x2b: {  	s6 =	sadd.s32 $0x200, s2  }
0x2c: {  	[tilespmem:s17], [sflag:$0x2] =	stream.linear.gather [hbm4b:s6+s5], $0x1000, $0x38;
	[tilespmem:$0x11780] =	vst v63  }
0x2d: {  	s8 =	sadd.s32 $0x400, s2  }
0x2e: {  	[tilespmem:s18], [sflag:$0x3] =	stream.linear.gather [hbm4b:s8+s5], $0x1000, $0x38;
	[tilespmem:$0x11780] =	vst v63  }
0x2f: {  	s0 =	sadd.s32 $0x600, s2  }
0x30: {  	[tilespmem:s19], [sflag:$0x4] =	stream.linear.gather [hbm4b:s0+s5], $0x1000, $0x38;
	[tilespmem:$0x11780] =	vst v63  }
0x31: {  	_ =	swait.ge [sflag:s20], $0x1000  }
0x32: {  	[sflag:s20] =	ssyncset.done $0x0  }
0x33: {  	s1 =	simm.s32 $0x0;
	[sflag:s20] =	ssyncadd.s32 $0xFFFFF000  }
0x34: {  	[spmem:s3] =	stream.indirect.scatter.add.f32 [tilespmem:s16], [sflag:$0x5], $0x20, s1, s21, $0xb8;
	[tilespmem:$0x11780] =	vst v63  }
0x35: {  	_ = 	snop  }
0x36: {  	[spmem:s4] =	stream.indirect.scatter.add.f32 [tilespmem:s22], [sflag:$0x9], $0x10, s1, s21, $0xb8;
	[tilespmem:$0x11780] =	vst v63  }
0x37: {  	_ =	swait.ge [sflag:s14], $0x800  }
0x38: {  	[sflag:s14] =	ssyncset.done $0x0  }
0x39: {  	[sflag:s14] =	ssyncadd.s32 $0xFFFFF800  }
0x3a: {  	_ =	swait.ge [sflag:s23], $0x1000  }
0x3b: {  	[sflag:s23] =	ssyncset.done $0x0  }
0x3c: {  	s2 =	simm.s32 $0x80;
	[sflag:s23] =	ssyncadd.s32 $0xFFFFF000  }
0x3d: {  	[spmem:s3] =	stream.indirect.scatter.add.f32 [tilespmem:s17], [sflag:$0x6], $0x20, s2, s21, $0xb8;
	[tilespmem:$0x11780] =	vst v63  }
0x3e: {  	_ = 	snop  }
0x3f: {  	[spmem:s4] =	stream.indirect.scatter.add.f32 [tilespmem:s22], [sflag:$0x9], $0x10, s2, s21, $0xb8;
	[tilespmem:$0x11780] =	vst v63  }
0x40: {  	_ =	swait.ge [sflag:s14], $0x800  }
0x41: {  	[sflag:s14] =	ssyncset.done $0x0  }
0x42: {  	[sflag:s14] =	ssyncadd.s32 $0xFFFFF800  }
0x43: {  	_ =	swait.ge [sflag:s24], $0x1000  }
0x44: {  	[sflag:s24] =	ssyncset.done $0x0  }
0x45: {  	s6 =	simm.s32 $0x100;
	[sflag:s24] =	ssyncadd.s32 $0xFFFFF000  }
0x46: {  	[spmem:s3] =	stream.indirect.scatter.add.f32 [tilespmem:s18], [sflag:$0x7], $0x20, s6, s21, $0xb8;
	[tilespmem:$0x11780] =	vst v63  }
0x47: {  	_ = 	snop  }
0x48: {  	[spmem:s4] =	stream.indirect.scatter.add.f32 [tilespmem:s22], [sflag:$0x9], $0x10, s6, s21, $0xb8;
	[tilespmem:$0x11780] =	vst v63  }
0x49: {  	_ =	swait.ge [sflag:s14], $0x800  }
0x4a: {  	[sflag:s14] =	ssyncset.done $0x0  }
0x4b: {  	[sflag:s14] =	ssyncadd.s32 $0xFFFFF800  }
0x4c: {  	_ =	swait.ge [sflag:s25], $0x1000  }
0x4d: {  	[sflag:s25] =	ssyncset.done $0x0  }
0x4e: {  	s8 =	simm.s32 $0x180;
	[sflag:s25] =	ssyncadd.s32 $0xFFFFF000  }
0x4f: {  	[spmem:s3] =	stream.indirect.scatter.add.f32 [tilespmem:s19], [sflag:$0x8], $0x20, s8, s21, $0xb8;
	[tilespmem:$0x11780] =	vst v63  }
0x50: {  	_ = 	snop  }
0x51: {  	[spmem:s4] =	stream.indirect.scatter.add.f32 [tilespmem:s22], [sflag:$0x9], $0x10, s8, s21, $0xb8;
	[tilespmem:$0x11780] =	vst v63  }
0x52: {  	_ =	swait.ge [sflag:s14], $0x800  }
0x53: {  	[sflag:s14] =	ssyncset.done $0x0  }
0x54: {  	[sflag:s14] =	ssyncadd.s32 $0xFFFFF800  }
0x55: {  	_ =	swait.ge [sflag:s26], $0x1000  }
0x56: {  	[sflag:s26] =	ssyncset.done $0x0  }
0x57: {  	[sflag:s26] =	ssyncadd.s32 $0xFFFFF000  }
0x58: {  	_ =	swait.ge [sflag:s28], $0x1000  }
0x59: {  	[sflag:s28] =	ssyncset.done $0x0  }
0x5a: {  	[sflag:s28] =	ssyncadd.s32 $0xFFFFF000  }
0x5b: {  	_ =	swait.ge [sflag:s29], $0x1000  }
0x5c: {  	[sflag:s29] =	ssyncset.done $0x0  }
0x5d: {  	[sflag:s29] =	ssyncadd.s32 $0xFFFFF000  }
0x5e: {  	_ =	swait.ge [sflag:s30], $0x1000  }
0x5f: {  	s0 =	simm.s32 $0x1000;
	s2 =	simm.s32 $0x800;
	[sflag:s30] =	ssyncset.done $0x0  }
.LBB2_4:
0x60: {  	s6 =	sadd.s32 s2, s12  }
0x61: {  	[sflag:s30] =	ssyncadd.s32 $0xFFFFF000;
	s8 =	smov.u32 s0;
	s1 =	sadd.s32 $0x800, s0  }
0x62: {  	[tilespmem:s16], [sflag:$0x1] =	stream.linear.gather [hbm4b:s6+s5], $0x1000, $0x38;
	[tilespmem:$0x11780] =	vst v63  }
0x63: {  	p0 =	sne.s32 s0, $0x4800;
	s0 =	sadd.s32 $0x200, s6  }
0x64: {  	[tilespmem:s17], [sflag:$0x2] =	stream.linear.gather [hbm4b:s0+s5], $0x1000, $0x38;
	[tilespmem:$0x11780] =	vst v63  }
0x65: {  	s0 =	sadd.s32 $0x400, s6  }
0x66: {  	[tilespmem:s18], [sflag:$0x3] =	stream.linear.gather [hbm4b:s0+s5], $0x1000, $0x38;
	[tilespmem:$0x11780] =	vst v63  }
0x67: {  	s0 =	sadd.s32 $0x600, s6  }
0x68: {  	[tilespmem:s19], [sflag:$0x4] =	stream.linear.gather [hbm4b:s0+s5], $0x1000, $0x38;
	[tilespmem:$0x11780] =	vst v63  }
0x69: {  	_ =	swait.ge [sflag:s20], $0x1000  }
0x6a: {  	[sflag:s20] =	ssyncset.done $0x0  }
0x6b: {  	s0 =	sshra.s32 s2, $0x2;
	s2 =	smov.u32 s8;
	[sflag:s20] =	ssyncadd.s32 $0xFFFFF000  }
0x6c: {  	[spmem:s3] =	stream.indirect.scatter.add.f32 [tilespmem:s16], [sflag:$0x5], $0x20, s0, s21, $0xb8;
	[tilespmem:$0x11780] =	vst v63  }
0x6d: {  	_ = 	snop  }
0x6e: {  	[spmem:s4] =	stream.indirect.scatter.add.f32 [tilespmem:s22], [sflag:$0x9], $0x10, s0, s21, $0xb8;
	[tilespmem:$0x11780] =	vst v63  }
0x6f: {  	_ =	swait.ge [sflag:s14], $0x800  }
0x70: {  	[sflag:s14] =	ssyncset.done $0x0  }
0x71: {  	[sflag:s14] =	ssyncadd.s32 $0xFFFFF800  }
0x72: {  	_ =	swait.ge [sflag:s23], $0x1000  }
0x73: {  	[sflag:s23] =	ssyncset.done $0x0  }
0x74: {  	s6 =	sadd.s32 $0x80, s0;
	[sflag:s23] =	ssyncadd.s32 $0xFFFFF000  }
0x75: {  	[spmem:s3] =	stream.indirect.scatter.add.f32 [tilespmem:s17], [sflag:$0x6], $0x20, s6, s21, $0xb8;
	[tilespmem:$0x11780] =	vst v63  }
0x76: {  	_ = 	snop  }
0x77: {  	[spmem:s4] =	stream.indirect.scatter.add.f32 [tilespmem:s22], [sflag:$0x9], $0x10, s6, s21, $0xb8;
	[tilespmem:$0x11780] =	vst v63  }
0x78: {  	_ =	swait.ge [sflag:s14], $0x800  }
0x79: {  	[sflag:s14] =	ssyncset.done $0x0  }
0x7a: {  	[sflag:s14] =	ssyncadd.s32 $0xFFFFF800  }
0x7b: {  	_ =	swait.ge [sflag:s24], $0x1000  }
0x7c: {  	[sflag:s24] =	ssyncset.done $0x0  }
0x7d: {  	s6 =	sadd.s32 $0x100, s0;
	[sflag:s24] =	ssyncadd.s32 $0xFFFFF000  }
0x7e: {  	[spmem:s3] =	stream.indirect.scatter.add.f32 [tilespmem:s18], [sflag:$0x7], $0x20, s6, s21, $0xb8;
	[tilespmem:$0x11780] =	vst v63  }
0x7f: {  	_ = 	snop  }
0x80: {  	[spmem:s4] =	stream.indirect.scatter.add.f32 [tilespmem:s22], [sflag:$0x9], $0x10, s6, s21, $0xb8;
	[tilespmem:$0x11780] =	vst v63  }
0x81: {  	_ =	swait.ge [sflag:s14], $0x800  }
0x82: {  	[sflag:s14] =	ssyncset.done $0x0  }
0x83: {  	[sflag:s14] =	ssyncadd.s32 $0xFFFFF800  }
0x84: {  	_ =	swait.ge [sflag:s25], $0x1000  }
0x85: {  	[sflag:s25] =	ssyncset.done $0x0  }
0x86: {  	s0 =	sadd.s32 $0x180, s0;
	[sflag:s25] =	ssyncadd.s32 $0xFFFFF000  }
0x87: {  	[spmem:s3] =	stream.indirect.scatter.add.f32 [tilespmem:s19], [sflag:$0x8], $0x20, s0, s21, $0xb8;
	[tilespmem:$0x11780] =	vst v63  }
0x88: {  	_ = 	snop  }
0x89: {  	[spmem:s4] =	stream.indirect.scatter.add.f32 [tilespmem:s22], [sflag:$0x9], $0x10, s0, s21, $0xb8;
	[tilespmem:$0x11780] =	vst v63  }
0x8a: {  	_ =	swait.ge [sflag:s14], $0x800  }
0x8b: {  	[sflag:s14] =	ssyncset.done $0x0  }
0x8c: {  	[sflag:s14] =	ssyncadd.s32 $0xFFFFF800  }
0x8d: {  	_ =	swait.ge [sflag:s26], $0x1000  }
0x8e: {  	[sflag:s26] =	ssyncset.done $0x0  }
0x8f: {  	[sflag:s26] =	ssyncadd.s32 $0xFFFFF000  }
0x90: {  	_ =	swait.ge [sflag:s28], $0x1000  }
0x91: {  	[sflag:s28] =	ssyncset.done $0x0  }
0x92: {  	[sflag:s28] =	ssyncadd.s32 $0xFFFFF000  }
.Ltmp1:
0x93: {  	_ =	swait.ge [sflag:s29], $0x1000;
	(pc) =	sbr.rel @p0 .LBB2_4-.Ltmp1, $4  }
0x94: {  	[sflag:s29] =	ssyncset.done $0x0  }
0x95: {  	[sflag:s29] =	ssyncadd.s32 $0xFFFFF000  }
0x96: {  	_ =	swait.ge [sflag:s30], $0x1000  }
0x97: {  	s0 =	smov.u32 s1;
	[sflag:s30] =	ssyncset.done $0x0  }
0x98: {  	s0 =	sadd.s32 s2, s12;
	[sflag:s30] =	ssyncadd.s32 $0xFFFFF000  }
0x99: {  	[tilespmem:s16], [sflag:$0x1] =	stream.linear.gather [hbm4b:s0+s5], $0x1000, $0x38;
	[tilespmem:$0x11780] =	vst v63  }
0x9a: {  	s1 =	sadd.s32 $0x200, s0  }
0x9b: {  	[tilespmem:s17], [sflag:$0x2] =	stream.linear.gather [hbm4b:s1+s5], $0x1000, $0x38;
	[tilespmem:$0x11780] =	vst v63  }
0x9c: {  	s8 =	sadd.s32 $0x400, s0  }
0x9d: {  	[tilespmem:s18], [sflag:$0x3] =	stream.linear.gather [hbm4b:s8+s5], $0x1000, $0x38;
	[tilespmem:$0x11780] =	vst v63  }
0x9e: {  	s0 =	sadd.s32 $0x600, s0  }
0x9f: {  	[tilespmem:s19], [sflag:$0x4] =	stream.linear.gather [hbm4b:s0+s5], $0x1000, $0x38;
	[tilespmem:$0x11780] =	vst v63  }
0xa0: {  	_ =	swait.ge [sflag:s20], $0x1000  }
0xa1: {  	[sflag:s20] =	ssyncset.done $0x0  }
0xa2: {  	s2 =	sshra.s32 s2, $0x2;
	[sflag:s20] =	ssyncadd.s32 $0xFFFFF000  }
0xa3: {  	[spmem:s3] =	stream.indirect.scatter.add.f32 [tilespmem:s16], [sflag:$0x5], $0x20, s2, s21, $0xb8;
	[tilespmem:$0x11780] =	vst v63  }
0xa4: {  	_ = 	snop  }
0xa5: {  	[spmem:s4] =	stream.indirect.scatter.add.f32 [tilespmem:s22], [sflag:$0x9], $0x10, s2, s21, $0xb8;
	[tilespmem:$0x11780] =	vst v63  }
0xa6: {  	_ =	swait.ge [sflag:s14], $0x800  }
0xa7: {  	[sflag:s14] =	ssyncset.done $0x0  }
0xa8: {  	[sflag:s14] =	ssyncadd.s32 $0xFFFFF800  }
0xa9: {  	_ =	swait.ge [sflag:s23], $0x1000  }
0xaa: {  	[sflag:s23] =	ssyncset.done $0x0  }
0xab: {  	s6 =	sadd.s32 $0x80, s2;
	[sflag:s23] =	ssyncadd.s32 $0xFFFFF000  }
0xac: {  	[spmem:s3] =	stream.indirect.scatter.add.f32 [tilespmem:s17], [sflag:$0x6], $0x20, s6, s21, $0xb8;
	[tilespmem:$0x11780] =	vst v63  }
0xad: {  	_ = 	snop  }
0xae: {  	[spmem:s4] =	stream.indirect.scatter.add.f32 [tilespmem:s22], [sflag:$0x9], $0x10, s6, s21, $0xb8;
	[tilespmem:$0x11780] =	vst v63  }
0xaf: {  	_ =	swait.ge [sflag:s14], $0x800  }
0xb0: {  	[sflag:s14] =	ssyncset.done $0x0  }
0xb1: {  	[sflag:s14] =	ssyncadd.s32 $0xFFFFF800  }
0xb2: {  	_ =	swait.ge [sflag:s24], $0x1000  }
0xb3: {  	[sflag:s24] =	ssyncset.done $0x0  }
0xb4: {  	s8 =	sadd.s32 $0x100, s2;
	[sflag:s24] =	ssyncadd.s32 $0xFFFFF000  }
0xb5: {  	[spmem:s3] =	stream.indirect.scatter.add.f32 [tilespmem:s18], [sflag:$0x7], $0x20, s8, s21, $0xb8;
	[tilespmem:$0x11780] =	vst v63  }
0xb6: {  	_ = 	snop  }
0xb7: {  	[spmem:s4] =	stream.indirect.scatter.add.f32 [tilespmem:s22], [sflag:$0x9], $0x10, s8, s21, $0xb8;
	[tilespmem:$0x11780] =	vst v63  }
0xb8: {  	_ =	swait.ge [sflag:s14], $0x800  }
0xb9: {  	[sflag:s14] =	ssyncset.done $0x0  }
0xba: {  	[sflag:s14] =	ssyncadd.s32 $0xFFFFF800  }
0xbb: {  	_ =	swait.ge [sflag:s25], $0x1000  }
0xbc: {  	[sflag:s25] =	ssyncset.done $0x0  }
0xbd: {  	s0 =	sadd.s32 $0x180, s2;
	[sflag:s25] =	ssyncadd.s32 $0xFFFFF000  }
0xbe: {  	[spmem:s3] =	stream.indirect.scatter.add.f32 [tilespmem:s19], [sflag:$0x8], $0x20, s0, s21, $0xb8;
	[tilespmem:$0x11780] =	vst v63  }
0xbf: {  	_ = 	snop  }
0xc0: {  	[spmem:s4] =	stream.indirect.scatter.add.f32 [tilespmem:s22], [sflag:$0x9], $0x10, s0, s21, $0xb8;
	[tilespmem:$0x11780] =	vst v63  }
0xc1: {  	_ =	swait.ge [sflag:s14], $0x800  }
0xc2: {  	[sflag:s14] =	ssyncset.done $0x0  }
0xc3: {  	[sflag:s14] =	ssyncadd.s32 $0xFFFFF800  }
0xc4: {  	_ =	swait.ge [sflag:s26], $0x1000  }
0xc5: {  	[sflag:s26] =	ssyncset.done $0x0  }
0xc6: {  	[sflag:s26] =	ssyncadd.s32 $0xFFFFF000  }
0xc7: {  	_ =	swait.ge [sflag:s28], $0x1000  }
0xc8: {  	[sflag:s28] =	ssyncset.done $0x0  }
0xc9: {  	[sflag:s28] =	ssyncadd.s32 $0xFFFFF000  }
0xca: {  	_ =	swait.ge [sflag:s29], $0x1000  }
0xcb: {  	[sflag:s29] =	ssyncset.done $0x0  }
0xcc: {  	[sflag:s29] =	ssyncadd.s32 $0xFFFFF000  }
0xcd: {  	_ =	swait.ge [sflag:s30], $0x1000  }
0xce: {  	[sflag:s30] =	ssyncset.done $0x0  }
0xcf: {  	[sflag:s30] =	ssyncadd.s32 $0xFFFFF000  }
0xd0: {  	[bflag:$0x0] =	sbarrier.arrive $0xFFFF  }
0xd1: {  	[hbm:s9], [sflag:s7] =	dma.local [spmem:s13], $0xFA0  }
0xd2: {  	s31 =	sadd.s32 $0x1, s31;
	_ =	swait.ge [sflag:s14], $0xFA0  }
0xd3: {  	p0 =	sne.s32 s31, s11;
	[sflag:s14] =	ssyncset.done $0x0  }
.Ltmp2:
0xd4: {  	[sflag:s14] =	ssyncadd.s32 $0xFFFFF060;
	(pc) =	sbr.rel @p0 .LBB2_1-.Ltmp2, $4  }
0xd5: {  	[hbm:s10], [sflag:s7] =	dma.local [spmem:s15], $0x7D0  }
0xd6: {  	_ =	swait.ge [sflag:s14], $0x7D0  }
0xd7: {  	[sflag:s14] =	ssyncset.done $0x0  }
0xd8: {  	[sflag:s14] =	ssyncadd.s32 $0xFFFFF830  }
0xd9: {  	_ =	sfence.sel $0x180000  }
0xda: {  	[bflag:$0x0] =	sbarrier.arrive $0xFFFF  }
0xdb: {  	_ =	strace $0x9000004A  }
0xdc: {  	s0 =	stileid.u32;
	[bflag:$0x2] =	sbarrier.arrive $0xFFFF  }
0xdd: {  	p0 =	sne.s32 s0, $0x0;
	s0 =	rddreg [dreg:$0x5]  }
0xde: {  	s0 =	sadd.s32 @!p0 $0x100000, s0  }
0xdf: {  	[sflag:s0] =	ssyncadd.tile.s32 @!p0 $0x1;
	_ =	shalt  }
.Lfunc_end2:
_tile_overlayer_lowered:
.L_overlay_start_2:
0xe0: {  	(tag) =	ssettag $0x2  }
0xe1: {  	s0 =	rddreg [dreg:$0x0];
	s2 =	stileid.u32  }
0xe2: {  	s1 =	rddreg [dreg:$0x1];
	p0 =	sne.s32 s2, $0x0  }
0xe3: {  	s3 =	rddreg [dreg:$0x2];
	[bflag:$0x3] =	sbarrier.arrive $0xFFFF;
	s2 =	simm.s32 @!p0 $0x1C09  }
0xe4: {  	[timem:s3], [sflag:s2] =	dma.local @!p0 [hbm:s0], s1  }
0xe5: {  	s0 =	simm.s32 @!p0 $0x9  }
0xe6: {  	_ =	swait.ge @!p0 [sflag:s0], s1  }
0xe7: {  	s1 =	ssub.s32 @!p0 $0x0, s1;
	[sflag:s0] =	ssyncset.done @!p0 $0x0  }
0xe8: {  	[sflag:s0] =	ssyncadd.s32 @!p0 s1  }
0xe9: {  	[bflag:$0x3] =	sbarrier.arrive $0xFFFF  }
0xea: {  	_ =	shalt  }

</sc_bundles>
